<compile_context>
chip_gen: v7x
topology: tpu7x:2x2x1
jax: 0.10.2.dev20260603
libtpu: 0.0.44.dev20260713+nightly
codegen_flags: <defaults>
</compile_context>

<pallas_src>
import functools

import jax
import jax.numpy as jnp
from jax import lax
from jax.experimental import pallas as pl
from jax.experimental.pallas import tpu as pltpu
from jax.experimental.pallas import tpu_sc as plsc

TOP_K = 8
N_EXP = 64
SCALING = 2.5
N_TOK = 32768
NC, NS, L = 2, 16, 16
NW = NC * NS
UNROLL_T = 2
N_SPLIT = 1

_mesh = plsc.VectorSubcoreMesh(core_axis_name="c", subcore_axis_name="s")


def _make_router(nt):
    tpw = nt // NW
    n_step = tpw // (L * UNROLL_T)

    @functools.partial(
        pl.kernel,
        out_type=(
            jax.ShapeDtypeStruct((nt, TOP_K), jnp.float32),
            jax.ShapeDtypeStruct((nt, TOP_K), jnp.int32),
            jax.ShapeDtypeStruct((NW, N_EXP), jnp.int32),
        ),
        mesh=_mesh,
        compiler_params=pltpu.CompilerParams(
            needs_layout_passes=False, use_tc_tiling_on_sc=False),
        scratch_types=(
            pltpu.VMEM((tpw, N_EXP), jnp.float32),
            pltpu.VMEM((tpw, TOP_K), jnp.float32),
            pltpu.VMEM((tpw, TOP_K), jnp.int32),
            pltpu.VMEM((N_EXP,), jnp.float32),
            pltpu.VMEM((N_EXP, UNROLL_T * L), jnp.int32),
            pltpu.VMEM((N_EXP,), jnp.int32),
        ),
    )
    def _router(logits_hbm, bias_hbm, w_hbm, i_hbm, h_hbm,
                x_v, w_v, i_v, b_v, hist_v, hred_v):
        c = lax.axis_index("c")
        s = lax.axis_index("s")
        wid = s * NC + c
        base = wid * tpw

        iota = jnp.arange(L, dtype=jnp.int32)
        zeros_i = jnp.zeros((L,), jnp.int32)
        ones_i = jnp.ones((L,), jnp.int32)

        pltpu.sync_copy(bias_hbm, b_v)
        pltpu.sync_copy(logits_hbm.at[pl.ds(base, tpw)], x_v)

        def _zero_body(e, _):
            for u in range(UNROLL_T):
                hist_v[e, pl.ds(u * L, L)] = zeros_i
            return 0
        lax.fori_loop(0, N_EXP, _zero_body, 0)

        neg_inf = jnp.full((L,), -jnp.inf, jnp.float32)

        def step(g0, _):
            toks = [(g0 * UNROLL_T + u) * L + iota for u in range(UNROLL_T)]

            def expert_body(e, carry):
                ms, mis = carry
                new_ms = [list(ms[u]) for u in range(UNROLL_T)]
                new_mis = [list(mis[u]) for u in range(UNROLL_T)]
                e_splat = zeros_i + e
                bias_e = plsc.load_gather(b_v, [e_splat])
                for u in range(UNROLL_T):
                    x = plsc.load_gather(x_v, [toks[u], e_splat])
                    v = 1.0 / (1.0 + jnp.exp(-x)) + bias_e
                    vi = e_splat
                    m = new_ms[u]
                    mi = new_mis[u]
                    for j in range(TOP_K):
                        b = v > m[j]
                        m[j], v = jnp.where(b, v, m[j]), jnp.where(b, m[j], v)
                        mi[j], vi = jnp.where(b, vi, mi[j]), jnp.where(b, mi[j], vi)
                return (tuple(tuple(r) for r in new_ms),
                        tuple(tuple(r) for r in new_mis))

            init = (
                tuple(tuple(neg_inf for _ in range(TOP_K)) for _ in range(UNROLL_T)),
                tuple(tuple(zeros_i for _ in range(TOP_K)) for _ in range(UNROLL_T)),
            )
            ms, mis = lax.fori_loop(0, N_EXP, expert_body, init)

            for u in range(UNROLL_T):
                m, mi = ms[u], mis[u]
                sv = [m[j] - plsc.load_gather(b_v, [mi[j]]) for j in range(TOP_K)]
                den = sv[0]
                for j in range(1, TOP_K):
                    den = den + sv[j]
                fac = SCALING / (den + 1e-20)
                for j in range(TOP_K):
                    jcol = zeros_i + j
                    plsc.store_scatter(w_v, [toks[u], jcol], sv[j] * fac)
                    plsc.store_scatter(i_v, [toks[u], jcol], mi[j])
                    plsc.addupdate_scatter(hist_v, [mi[j], iota + u * L], ones_i)
            return 0

        lax.fori_loop(0, n_step, step, 0)

        pltpu.sync_copy(w_v, w_hbm.at[pl.ds(base, tpw)])
        pltpu.sync_copy(i_v, i_hbm.at[pl.ds(base, tpw)])

        for f in range(N_EXP // L):
            rows = iota + L * f
            acc = plsc.load_gather(hist_v, [rows, zeros_i])
            for u in range(1, UNROLL_T * L):
                acc = acc + plsc.load_gather(hist_v, [rows, zeros_i + u])
            hred_v[pl.ds(L * f, L)] = acc
        pltpu.sync_copy(hred_v, h_hbm.at[wid])

    return _router


_router_part = _make_router(N_TOK // N_SPLIT)


def _hist_sum_body(*refs):
    hs = refs[:-1]
    o_ref = refs[-1]
    acc = jnp.sum(hs[0][...], axis=0)
    for h in hs[1:]:
        acc = acc + jnp.sum(h[...], axis=0)
    o_ref[...] = acc


_hist_sum = pl.pallas_call(
    _hist_sum_body,
    out_shape=jax.ShapeDtypeStruct((N_EXP,), jnp.int32),
)


def kernel(logits, e_score_correction_bias):
    if N_SPLIT == 1:
        topk_weight, topk_idx, hp = _router_part(logits, e_score_correction_bias)
        tokens_per_expert = _hist_sum(hp)
        return (logits, topk_weight, topk_idx, tokens_per_expert)
    part = N_TOK // N_SPLIT
    ws, idxs, hps = [], [], []
    for p in range(N_SPLIT):
        w, i, hp = _router_part(
            lax.slice_in_dim(logits, p * part, (p + 1) * part),
            e_score_correction_bias)
        ws.append(w)
        idxs.append(i)
        hps.append(hp)
    topk_weight = jnp.concatenate(ws, axis=0)
    topk_idx = jnp.concatenate(idxs, axis=0)
    tokens_per_expert = _hist_sum(*hps)
    return (logits, topk_weight, topk_idx, tokens_per_expert)

# --- scband reference (transcript-rebuilt; emitter-appended) ---
"""Pipeline reference for scband-no-aux-router-35107062678431 (READ-ONLY COPY).

The authoritative reference and input builder live on the scoring server;
editing this copy changes nothing except your own understanding.
"""

import jax, jax.numpy as jnp
import numpy as np

TOP_K = 8
N_EXPERTS = 64
SCALING = 2.5
NORM_TOPK = True

def setup_inputs(seed: int = 0) -> dict:
    key = jax.random.key(seed)
    k1, k2 = jax.random.split(key)
    logits = jax.random.normal(k1, (32768, N_EXPERTS), dtype=jnp.float32)
    e_score_correction_bias = jax.random.normal(k2, (N_EXPERTS,), dtype=jnp.float32) * 0.01
    return {"logits": logits, "e_score_correction_bias": e_score_correction_bias}

def reference(logits, e_score_correction_bias):
    scores = jax.nn.sigmoid(logits)
    scores_for_choice = scores + e_score_correction_bias[None, :]
    _, topk_idx = jax.lax.top_k(scores_for_choice, TOP_K)
    topk_weight = jnp.take_along_axis(scores, topk_idx, axis=1)
    if TOP_K > 1 and NORM_TOPK:
        denominator = jnp.sum(topk_weight, axis=-1, keepdims=True) + 1e-20
        topk_weight = topk_weight / denominator
    topk_weight = topk_weight * SCALING
    tokens_per_expert = jnp.bincount(topk_idx.reshape(-1), length=N_EXPERTS)
    return (logits, topk_weight, topk_idx, tokens_per_expert)

if __name__ == "__main__":
    import jax
    _d = setup_inputs()
    print(jax.jit(kernel)(*tuple(_d.values())))

</pallas_src>

<mosaic_0001>
#map = affine_map<(d0, d1) -> (0, 0)>
#map1 = affine_map<(d0, d1) -> (0)>
module attributes {stable_mosaic.version = 14 : i64} {
  func.func @_router(%arg0: i32, %arg1: i32, %arg2: memref<32768x64xf32, #tpu.memory_space<hbm>>, %arg3: memref<64xf32, #tpu.memory_space<hbm>>, %arg4: memref<32768x8xf32, #tpu.memory_space<hbm>>, %arg5: memref<32768x8xi32, #tpu.memory_space<hbm>>, %arg6: memref<32x64xi32, #tpu.memory_space<hbm>>, %arg7: memref<1024x64xf32, #tpu.memory_space<vmem>>, %arg8: memref<1024x8xf32, #tpu.memory_space<vmem>>, %arg9: memref<1024x8xi32, #tpu.memory_space<vmem>>, %arg10: memref<64xf32, #tpu.memory_space<vmem>>, %arg11: memref<64x32xi32, #tpu.memory_space<vmem>>, %arg12: memref<64xi32, #tpu.memory_space<vmem>>) attributes {dimension_semantics = [#tpu.dimension_semantics<core_parallel>, #tpu.dimension_semantics<subcore_parallel>], iteration_bounds = array<i64: 2, 16>, scalar_prefetch = 0 : i64, scratch_operands = 6 : i64, tpu.core_type = #tpu.core_type<sc_vector_subcore>, window_params = [{transform_indices = #map}, {transform_indices = #map1}, {transform_indices = #map}, {transform_indices = #map}, {transform_indices = #map}]} {
    %mul3A = arith.constant 2 : i32
    %mul3A_0 = arith.muli %arg1, %mul3A : i32
    %add3A = arith.addi %mul3A_0, %arg0 : i32
    %mul3A_1 = arith.constant 1024 : i32
    %mul3A_2 = arith.muli %add3A, %mul3A_1 : i32
    %iota3A = tpu.iota {dimensions = array<i32: 0>} : vector<16xi32>
    %broadcast_in_dim3A = arith.constant 0 : i32
    %broadcast_in_dim3A_3 = vector.broadcast %broadcast_in_dim3A : i32 to vector<16xi32>
    %broadcast_in_dim3A_4 = arith.constant 1 : i32
    %broadcast_in_dim3A_5 = vector.broadcast %broadcast_in_dim3A_4 : i32 to vector<16xi32>
    "tpu.region"() ({
      %run_scoped3A = tpu.sem_alloc : memref<!tpu.dma_semaphore, #tpu.memory_space<semaphore_mem>>
      tpu.enqueue_dma source(%arg3 : memref<64xf32, #tpu.memory_space<hbm>>) target(%arg10 : memref<64xf32, #tpu.memory_space<vmem>>) target_semaphore(%run_scoped3A : memref<!tpu.dma_semaphore, #tpu.memory_space<semaphore_mem>>)
      tpu.wait_dma2 semaphore(%run_scoped3A : memref<!tpu.dma_semaphore, #tpu.memory_space<semaphore_mem>>) src(%arg3 : memref<64xf32, #tpu.memory_space<hbm>>) dst(%arg10 : memref<64xf32, #tpu.memory_space<vmem>>)
      tpu.yield
    }) : () -> ()
    "tpu.region"() ({
      %run_scoped3A = tpu.sem_alloc : memref<!tpu.dma_semaphore, #tpu.memory_space<semaphore_mem>>
      %dma_start3A = arith.constant 0 : i32
      %dma_start3A_663 = tpu.memref_slice %arg2[%mul3A_2, %dma_start3A] : memref<32768x64xf32, #tpu.memory_space<hbm>> -> memref<1024x64xf32, #tpu.memory_space<hbm>>
      %dma_start3A_664 = arith.constant 0 : i32
      %dma_start3A_665 = tpu.memref_slice %arg2[%mul3A_2, %dma_start3A_664] : memref<32768x64xf32, #tpu.memory_space<hbm>> -> memref<1024x64xf32, #tpu.memory_space<hbm>>
      tpu.enqueue_dma source(%dma_start3A_665 : memref<1024x64xf32, #tpu.memory_space<hbm>>) target(%arg7 : memref<1024x64xf32, #tpu.memory_space<vmem>>) target_semaphore(%run_scoped3A : memref<!tpu.dma_semaphore, #tpu.memory_space<semaphore_mem>>)
      %dma_wait3A = arith.constant 0 : i32
      %dma_wait3A_666 = tpu.memref_slice %arg2[%mul3A_2, %dma_wait3A] : memref<32768x64xf32, #tpu.memory_space<hbm>> -> memref<1024x64xf32, #tpu.memory_space<hbm>>
      %dma_wait3A_667 = arith.constant 0 : i32
      %dma_wait3A_668 = tpu.memref_slice %arg2[%mul3A_2, %dma_wait3A_667] : memref<32768x64xf32, #tpu.memory_space<hbm>> -> memref<1024x64xf32, #tpu.memory_space<hbm>>
      tpu.wait_dma2 semaphore(%run_scoped3A : memref<!tpu.dma_semaphore, #tpu.memory_space<semaphore_mem>>) src(%dma_wait3A_668 : memref<1024x64xf32, #tpu.memory_space<hbm>>) dst(%arg7 : memref<1024x64xf32, #tpu.memory_space<vmem>>)
      tpu.yield
    }) : () -> ()
    %scan3A = arith.constant 0 : i32
    %scan3A_6 = arith.constant 0 : i32
    %scan3A_7 = arith.constant 64 : i32
    %scan3A_8 = arith.addi %scan3A_6, %scan3A_7 : i32
    %scan3A_9 = arith.constant 1 : i32
    %scan3A_10 = scf.for %scan3A_663 = %scan3A_6 to %scan3A_8 step %scan3A_9 iter_args(%scan3A_664 = %scan3A) -> (i32)  : i32 {
      %swap3A_665 = arith.index_cast %scan3A_663 : i32 to index
      %swap3A_666 = arith.constant 0 : index
      %swap3A_667 = tpu.vector_load %arg11[%swap3A_665, %swap3A_666] {strides = array<i32>} : memref<64x32xi32, #tpu.memory_space<vmem>>, vector<16xi32>,
      tpu.vector_store %arg11[%swap3A_665, %swap3A_666], %broadcast_in_dim3A_3 {strides = array<i32>} : memref<64x32xi32, #tpu.memory_space<vmem>>, vector<16xi32>,
      %swap3A_668 = arith.index_cast %scan3A_663 : i32 to index
      %swap3A_669 = arith.constant 16 : index
      %swap3A_670 = tpu.vector_load %arg11[%swap3A_668, %swap3A_669] {strides = array<i32>} : memref<64x32xi32, #tpu.memory_space<vmem>>, vector<16xi32>,
      tpu.vector_store %arg11[%swap3A_668, %swap3A_669], %broadcast_in_dim3A_3 {strides = array<i32>} : memref<64x32xi32, #tpu.memory_space<vmem>>, vector<16xi32>,
      %scan3A_671 = arith.constant 0 : i32
      scf.yield %scan3A_671 : i32
    }
    %scan3A_11 = arith.constant 64 : i32
    %broadcast_in_dim3A_12 = arith.constant 0xFF800000 : f32
    %broadcast_in_dim3A_13 = vector.broadcast %broadcast_in_dim3A_12 : f32 to vector<16xf32>
    %scan3A_14 = arith.constant 0 : i32
    %scan3A_15 = arith.constant 0 : i32
    %scan3A_16 = arith.constant 32 : i32
    %scan3A_17 = arith.addi %scan3A_15, %scan3A_16 : i32
    %scan3A_18 = arith.constant 1 : i32
    %scan3A_19 = scf.for %scan3A_663 = %scan3A_15 to %scan3A_17 step %scan3A_18 iter_args(%scan3A_664 = %scan3A_14) -> (i32)  : i32 {
      %mul3A_665 = arith.constant 2 : i32
      %mul3A_666 = arith.muli %scan3A_663, %mul3A_665 : i32
      %add3A_667 = arith.constant 0 : i32
      %add3A_668 = arith.addi %mul3A_666, %add3A_667 : i32
      %mul3A_669 = arith.constant 16 : i32
      %mul3A_670 = arith.muli %add3A_668, %mul3A_669 : i32
      %add3A_671 = vector.broadcast %mul3A_670 : i32 to vector<16xi32>
      %add3A_672 = arith.addi %add3A_671, %iota3A : vector<16xi32>
      %mul3A_673 = arith.constant 2 : i32
      %mul3A_674 = arith.muli %scan3A_663, %mul3A_673 : i32
      %add3A_675 = arith.constant 1 : i32
      %add3A_676 = arith.addi %mul3A_674, %add3A_675 : i32
      %mul3A_677 = arith.constant 16 : i32
      %mul3A_678 = arith.muli %add3A_676, %mul3A_677 : i32
      %add3A_679 = vector.broadcast %mul3A_678 : i32 to vector<16xi32>
      %add3A_680 = arith.addi %add3A_679, %iota3A : vector<16xi32>
      %scan3A_681 = arith.constant 0 : i32
      %scan3A_682 = arith.constant 64 : i32
      %scan3A_683 = arith.addi %scan3A_681, %scan3A_682 : i32
      %scan3A_684 = arith.constant 1 : i32
      %scan3A_685:32 = scf.for %scan3A_856 = %scan3A_681 to %scan3A_683 step %scan3A_684 iter_args(%scan3A_857 = %broadcast_in_dim3A_13, %scan3A_858 = %broadcast_in_dim3A_13, %scan3A_859 = %broadcast_in_dim3A_13, %scan3A_860 = %broadcast_in_dim3A_13, %scan3A_861 = %broadcast_in_dim3A_13, %scan3A_862 = %broadcast_in_dim3A_13, %scan3A_863 = %broadcast_in_dim3A_13, %scan3A_864 = %broadcast_in_dim3A_13, %scan3A_865 = %broadcast_in_dim3A_13, %scan3A_866 = %broadcast_in_dim3A_13, %scan3A_867 = %broadcast_in_dim3A_13, %scan3A_868 = %broadcast_in_dim3A_13, %scan3A_869 = %broadcast_in_dim3A_13, %scan3A_870 = %broadcast_in_dim3A_13, %scan3A_871 = %broadcast_in_dim3A_13, %scan3A_872 = %broadcast_in_dim3A_13, %scan3A_873 = %broadcast_in_dim3A_3, %scan3A_874 = %broadcast_in_dim3A_3, %scan3A_875 = %broadcast_in_dim3A_3, %scan3A_876 = %broadcast_in_dim3A_3, %scan3A_877 = %broadcast_in_dim3A_3, %scan3A_878 = %broadcast_in_dim3A_3, %scan3A_879 = %broadcast_in_dim3A_3, %scan3A_880 = %broadcast_in_dim3A_3, %scan3A_881 = %broadcast_in_dim3A_3, %scan3A_882 = %broadcast_in_dim3A_3, %scan3A_883 = %broadcast_in_dim3A_3, %scan3A_884 = %broadcast_in_dim3A_3, %scan3A_885 = %broadcast_in_dim3A_3, %scan3A_886 = %broadcast_in_dim3A_3, %scan3A_887 = %broadcast_in_dim3A_3, %scan3A_888 = %broadcast_in_dim3A_3) -> (vector<16xf32>, vector<16xf32>, vector<16xf32>, vector<16xf32>, vector<16xf32>, vector<16xf32>, vector<16xf32>, vector<16xf32>, vector<16xf32>, vector<16xf32>, vector<16xf32>, vector<16xf32>, vector<16xf32>, vector<16xf32>, vector<16xf32>, vector<16xf32>, vector<16xi32>, vector<16xi32>, vector<16xi32>, vector<16xi32>, vector<16xi32>, vector<16xi32>, vector<16xi32>, vector<16xi32>, vector<16xi32>, vector<16xi32>, vector<16xi32>, vector<16xi32>, vector<16xi32>, vector<16xi32>, vector<16xi32>, vector<16xi32>)  : i32 {
        %add3A_889 = vector.broadcast %scan3A_856 : i32 to vector<16xi32>
        %add3A_890 = arith.addi %broadcast_in_dim3A_3, %add3A_889 : vector<16xi32>
        %gather3A_891 = tpu.vector_load_idx %arg10[%add3A_890] : memref<64xf32, #tpu.memory_space<vmem>>[vector<16xi32>], vector<16xf32>,
        %gather3A_892 = tpu.vector_load_idx %arg7[%add3A_672, %add3A_890] : memref<1024x64xf32, #tpu.memory_space<vmem>>[vector<16xi32>, vector<16xi32>], vector<16xf32>,
        %neg3A = arith.constant 0.000000e+00 : f32
        %neg3A_893 = vector.broadcast %neg3A : f32 to vector<16xf32>
        %neg3A_894 = arith.subf %neg3A_893, %gather3A_892 : vector<16xf32>
        %exp3A = math.exp %neg3A_894 : vector<16xf32>
        %add3A_895 = arith.constant 1.000000e+00 : f32
        %add3A_896 = vector.broadcast %add3A_895 : f32 to vector<16xf32>
        %add3A_897 = arith.addf %add3A_896, %exp3A : vector<16xf32>
        %div3A_898 = arith.constant 1.000000e+00 : f32
        %div3A_899 = vector.broadcast %div3A_898 : f32 to vector<16xf32>
        %div3A_900 = arith.divf %div3A_899, %add3A_897 : vector<16xf32>
        %add3A_901 = arith.addf %div3A_900, %gather3A_891 : vector<16xf32>
        %gt3A = arith.cmpf ogt, %add3A_901, %scan3A_857 : vector<16xf32>
        %select_n3A = arith.select %gt3A, %add3A_901, %scan3A_857 : vector<16xi1>, vector<16xf32>
        %select_n3A_902 = arith.select %gt3A, %scan3A_857, %add3A_901 : vector<16xi1>, vector<16xf32>
        %select_n3A_903 = arith.select %gt3A, %add3A_890, %scan3A_873 : vector<16xi1>, vector<16xi32>
        %select_n3A_904 = arith.select %gt3A, %scan3A_873, %add3A_890 : vector<16xi1>, vector<16xi32>
        %gt3A_905 = arith.cmpf ogt, %select_n3A_902, %scan3A_858 : vector<16xf32>
        %select_n3A_906 = arith.select %gt3A_905, %select_n3A_902, %scan3A_858 : vector<16xi1>, vector<16xf32>
        %select_n3A_907 = arith.select %gt3A_905, %scan3A_858, %select_n3A_902 : vector<16xi1>, vector<16xf32>
        %select_n3A_908 = arith.select %gt3A_905, %select_n3A_904, %scan3A_874 : vector<16xi1>, vector<16xi32>
        %select_n3A_909 = arith.select %gt3A_905, %scan3A_874, %select_n3A_904 : vector<16xi1>, vector<16xi32>
        %gt3A_910 = arith.cmpf ogt, %select_n3A_907, %scan3A_859 : vector<16xf32>
        %select_n3A_911 = arith.select %gt3A_910, %select_n3A_907, %scan3A_859 : vector<16xi1>, vector<16xf32>
        %select_n3A_912 = arith.select %gt3A_910, %scan3A_859, %select_n3A_907 : vector<16xi1>, vector<16xf32>
        %select_n3A_913 = arith.select %gt3A_910, %select_n3A_909, %scan3A_875 : vector<16xi1>, vector<16xi32>
        %select_n3A_914 = arith.select %gt3A_910, %scan3A_875, %select_n3A_909 : vector<16xi1>, vector<16xi32>
        %gt3A_915 = arith.cmpf ogt, %select_n3A_912, %scan3A_860 : vector<16xf32>
        %select_n3A_916 = arith.select %gt3A_915, %select_n3A_912, %scan3A_860 : vector<16xi1>, vector<16xf32>
        %select_n3A_917 = arith.select %gt3A_915, %scan3A_860, %select_n3A_912 : vector<16xi1>, vector<16xf32>
        %select_n3A_918 = arith.select %gt3A_915, %select_n3A_914, %scan3A_876 : vector<16xi1>, vector<16xi32>
        %select_n3A_919 = arith.select %gt3A_915, %scan3A_876, %select_n3A_914 : vector<16xi1>, vector<16xi32>
        %gt3A_920 = arith.cmpf ogt, %select_n3A_917, %scan3A_861 : vector<16xf32>
        %select_n3A_921 = arith.select %gt3A_920, %select_n3A_917, %scan3A_861 : vector<16xi1>, vector<16xf32>
        %select_n3A_922 = arith.select %gt3A_920, %scan3A_861, %select_n3A_917 : vector<16xi1>, vector<16xf32>
        %select_n3A_923 = arith.select %gt3A_920, %select_n3A_919, %scan3A_877 : vector<16xi1>, vector<16xi32>
        %select_n3A_924 = arith.select %gt3A_920, %scan3A_877, %select_n3A_919 : vector<16xi1>, vector<16xi32>
        %gt3A_925 = arith.cmpf ogt, %select_n3A_922, %scan3A_862 : vector<16xf32>
        %select_n3A_926 = arith.select %gt3A_925, %select_n3A_922, %scan3A_862 : vector<16xi1>, vector<16xf32>
        %select_n3A_927 = arith.select %gt3A_925, %scan3A_862, %select_n3A_922 : vector<16xi1>, vector<16xf32>
        %select_n3A_928 = arith.select %gt3A_925, %select_n3A_924, %scan3A_878 : vector<16xi1>, vector<16xi32>
        %select_n3A_929 = arith.select %gt3A_925, %scan3A_878, %select_n3A_924 : vector<16xi1>, vector<16xi32>
        %gt3A_930 = arith.cmpf ogt, %select_n3A_927, %scan3A_863 : vector<16xf32>
        %select_n3A_931 = arith.select %gt3A_930, %select_n3A_927, %scan3A_863 : vector<16xi1>, vector<16xf32>
        %select_n3A_932 = arith.select %gt3A_930, %scan3A_863, %select_n3A_927 : vector<16xi1>, vector<16xf32>
        %select_n3A_933 = arith.select %gt3A_930, %select_n3A_929, %scan3A_879 : vector<16xi1>, vector<16xi32>
        %select_n3A_934 = arith.select %gt3A_930, %scan3A_879, %select_n3A_929 : vector<16xi1>, vector<16xi32>
        %gt3A_935 = arith.cmpf ogt, %select_n3A_932, %scan3A_864 : vector<16xf32>
        %select_n3A_936 = arith.select %gt3A_935, %select_n3A_932, %scan3A_864 : vector<16xi1>, vector<16xf32>
        %select_n3A_937 = arith.select %gt3A_935, %scan3A_864, %select_n3A_932 : vector<16xi1>, vector<16xf32>
        %select_n3A_938 = arith.select %gt3A_935, %select_n3A_934, %scan3A_880 : vector<16xi1>, vector<16xi32>
        %select_n3A_939 = arith.select %gt3A_935, %scan3A_880, %select_n3A_934 : vector<16xi1>, vector<16xi32>
        %gather3A_940 = tpu.vector_load_idx %arg7[%add3A_680, %add3A_890] : memref<1024x64xf32, #tpu.memory_space<vmem>>[vector<16xi32>, vector<16xi32>], vector<16xf32>,
        %neg3A_941 = arith.constant 0.000000e+00 : f32
        %neg3A_942 = vector.broadcast %neg3A_941 : f32 to vector<16xf32>
        %neg3A_943 = arith.subf %neg3A_942, %gather3A_940 : vector<16xf32>
        %exp3A_944 = math.exp %neg3A_943 : vector<16xf32>
        %add3A_945 = arith.constant 1.000000e+00 : f32
        %add3A_946 = vector.broadcast %add3A_945 : f32 to vector<16xf32>
        %add3A_947 = arith.addf %add3A_946, %exp3A_944 : vector<16xf32>
        %div3A_948 = arith.constant 1.000000e+00 : f32
        %div3A_949 = vector.broadcast %div3A_948 : f32 to vector<16xf32>
        %div3A_950 = arith.divf %div3A_949, %add3A_947 : vector<16xf32>
        %add3A_951 = arith.addf %div3A_950, %gather3A_891 : vector<16xf32>
        %gt3A_952 = arith.cmpf ogt, %add3A_951, %scan3A_865 : vector<16xf32>
        %select_n3A_953 = arith.select %gt3A_952, %add3A_951, %scan3A_865 : vector<16xi1>, vector<16xf32>
        %select_n3A_954 = arith.select %gt3A_952, %scan3A_865, %add3A_951 : vector<16xi1>, vector<16xf32>
        %select_n3A_955 = arith.select %gt3A_952, %add3A_890, %scan3A_881 : vector<16xi1>, vector<16xi32>
        %select_n3A_956 = arith.select %gt3A_952, %scan3A_881, %add3A_890 : vector<16xi1>, vector<16xi32>
        %gt3A_957 = arith.cmpf ogt, %select_n3A_954, %scan3A_866 : vector<16xf32>
        %select_n3A_958 = arith.select %gt3A_957, %select_n3A_954, %scan3A_866 : vector<16xi1>, vector<16xf32>
        %select_n3A_959 = arith.select %gt3A_957, %scan3A_866, %select_n3A_954 : vector<16xi1>, vector<16xf32>
        %select_n3A_960 = arith.select %gt3A_957, %select_n3A_956, %scan3A_882 : vector<16xi1>, vector<16xi32>
        %select_n3A_961 = arith.select %gt3A_957, %scan3A_882, %select_n3A_956 : vector<16xi1>, vector<16xi32>
        %gt3A_962 = arith.cmpf ogt, %select_n3A_959, %scan3A_867 : vector<16xf32>
        %select_n3A_963 = arith.select %gt3A_962, %select_n3A_959, %scan3A_867 : vector<16xi1>, vector<16xf32>
        %select_n3A_964 = arith.select %gt3A_962, %scan3A_867, %select_n3A_959 : vector<16xi1>, vector<16xf32>
        %select_n3A_965 = arith.select %gt3A_962, %select_n3A_961, %scan3A_883 : vector<16xi1>, vector<16xi32>
        %select_n3A_966 = arith.select %gt3A_962, %scan3A_883, %select_n3A_961 : vector<16xi1>, vector<16xi32>
        %gt3A_967 = arith.cmpf ogt, %select_n3A_964, %scan3A_868 : vector<16xf32>
        %select_n3A_968 = arith.select %gt3A_967, %select_n3A_964, %scan3A_868 : vector<16xi1>, vector<16xf32>
        %select_n3A_969 = arith.select %gt3A_967, %scan3A_868, %select_n3A_964 : vector<16xi1>, vector<16xf32>
        %select_n3A_970 = arith.select %gt3A_967, %select_n3A_966, %scan3A_884 : vector<16xi1>, vector<16xi32>
        %select_n3A_971 = arith.select %gt3A_967, %scan3A_884, %select_n3A_966 : vector<16xi1>, vector<16xi32>
        %gt3A_972 = arith.cmpf ogt, %select_n3A_969, %scan3A_869 : vector<16xf32>
        %select_n3A_973 = arith.select %gt3A_972, %select_n3A_969, %scan3A_869 : vector<16xi1>, vector<16xf32>
        %select_n3A_974 = arith.select %gt3A_972, %scan3A_869, %select_n3A_969 : vector<16xi1>, vector<16xf32>
        %select_n3A_975 = arith.select %gt3A_972, %select_n3A_971, %scan3A_885 : vector<16xi1>, vector<16xi32>
        %select_n3A_976 = arith.select %gt3A_972, %scan3A_885, %select_n3A_971 : vector<16xi1>, vector<16xi32>
        %gt3A_977 = arith.cmpf ogt, %select_n3A_974, %scan3A_870 : vector<16xf32>
        %select_n3A_978 = arith.select %gt3A_977, %select_n3A_974, %scan3A_870 : vector<16xi1>, vector<16xf32>
        %select_n3A_979 = arith.select %gt3A_977, %scan3A_870, %select_n3A_974 : vector<16xi1>, vector<16xf32>
        %select_n3A_980 = arith.select %gt3A_977, %select_n3A_976, %scan3A_886 : vector<16xi1>, vector<16xi32>
        %select_n3A_981 = arith.select %gt3A_977, %scan3A_886, %select_n3A_976 : vector<16xi1>, vector<16xi32>
        %gt3A_982 = arith.cmpf ogt, %select_n3A_979, %scan3A_871 : vector<16xf32>
        %select_n3A_983 = arith.select %gt3A_982, %select_n3A_979, %scan3A_871 : vector<16xi1>, vector<16xf32>
        %select_n3A_984 = arith.select %gt3A_982, %scan3A_871, %select_n3A_979 : vector<16xi1>, vector<16xf32>
        %select_n3A_985 = arith.select %gt3A_982, %select_n3A_981, %scan3A_887 : vector<16xi1>, vector<16xi32>
        %select_n3A_986 = arith.select %gt3A_982, %scan3A_887, %select_n3A_981 : vector<16xi1>, vector<16xi32>
        %gt3A_987 = arith.cmpf ogt, %select_n3A_984, %scan3A_872 : vector<16xf32>
        %select_n3A_988 = arith.select %gt3A_987, %select_n3A_984, %scan3A_872 : vector<16xi1>, vector<16xf32>
        %select_n3A_989 = arith.select %gt3A_987, %scan3A_872, %select_n3A_984 : vector<16xi1>, vector<16xf32>
        %select_n3A_990 = arith.select %gt3A_987, %select_n3A_986, %scan3A_888 : vector<16xi1>, vector<16xi32>
        %select_n3A_991 = arith.select %gt3A_987, %scan3A_888, %select_n3A_986 : vector<16xi1>, vector<16xi32>
        scf.yield %select_n3A, %select_n3A_906, %select_n3A_911, %select_n3A_916, %select_n3A_921, %select_n3A_926, %select_n3A_931, %select_n3A_936, %select_n3A_953, %select_n3A_958, %select_n3A_963, %select_n3A_968, %select_n3A_973, %select_n3A_978, %select_n3A_983, %select_n3A_988, %select_n3A_903, %select_n3A_908, %select_n3A_913, %select_n3A_918, %select_n3A_923, %select_n3A_928, %select_n3A_933, %select_n3A_938, %select_n3A_955, %select_n3A_960, %select_n3A_965, %select_n3A_970, %select_n3A_975, %select_n3A_980, %select_n3A_985, %select_n3A_990 : vector<16xf32>, vector<16xf32>, vector<16xf32>, vector<16xf32>, vector<16xf32>, vector<16xf32>, vector<16xf32>, vector<16xf32>, vector<16xf32>, vector<16xf32>, vector<16xf32>, vector<16xf32>, vector<16xf32>, vector<16xf32>, vector<16xf32>, vector<16xf32>, vector<16xi32>, vector<16xi32>, vector<16xi32>, vector<16xi32>, vector<16xi32>, vector<16xi32>, vector<16xi32>, vector<16xi32>, vector<16xi32>, vector<16xi32>, vector<16xi32>, vector<16xi32>, vector<16xi32>, vector<16xi32>, vector<16xi32>, vector<16xi32>
      }
      %scan3A_686 = arith.constant 64 : i32
      %gather3A_687 = tpu.vector_load_idx %arg10[%scan3A_685#16] : memref<64xf32, #tpu.memory_space<vmem>>[vector<16xi32>], vector<16xf32>,
      %sub3A = arith.subf %scan3A_685#0, %gather3A_687 : vector<16xf32>
      %gather3A_688 = tpu.vector_load_idx %arg10[%scan3A_685#17] : memref<64xf32, #tpu.memory_space<vmem>>[vector<16xi32>], vector<16xf32>,
      %sub3A_689 = arith.subf %scan3A_685#1, %gather3A_688 : vector<16xf32>
      %gather3A_690 = tpu.vector_load_idx %arg10[%scan3A_685#18] : memref<64xf32, #tpu.memory_space<vmem>>[vector<16xi32>], vector<16xf32>,
      %sub3A_691 = arith.subf %scan3A_685#2, %gather3A_690 : vector<16xf32>
      %gather3A_692 = tpu.vector_load_idx %arg10[%scan3A_685#19] : memref<64xf32, #tpu.memory_space<vmem>>[vector<16xi32>], vector<16xf32>,
      %sub3A_693 = arith.subf %scan3A_685#3, %gather3A_692 : vector<16xf32>
      %gather3A_694 = tpu.vector_load_idx %arg10[%scan3A_685#20] : memref<64xf32, #tpu.memory_space<vmem>>[vector<16xi32>], vector<16xf32>,
      %sub3A_695 = arith.subf %scan3A_685#4, %gather3A_694 : vector<16xf32>
      %gather3A_696 = tpu.vector_load_idx %arg10[%scan3A_685#21] : memref<64xf32, #tpu.memory_space<vmem>>[vector<16xi32>], vector<16xf32>,
      %sub3A_697 = arith.subf %scan3A_685#5, %gather3A_696 : vector<16xf32>
      %gather3A_698 = tpu.vector_load_idx %arg10[%scan3A_685#22] : memref<64xf32, #tpu.memory_space<vmem>>[vector<16xi32>], vector<16xf32>,
      %sub3A_699 = arith.subf %scan3A_685#6, %gather3A_698 : vector<16xf32>
      %gather3A_700 = tpu.vector_load_idx %arg10[%scan3A_685#23] : memref<64xf32, #tpu.memory_space<vmem>>[vector<16xi32>], vector<16xf32>,
      %sub3A_701 = arith.subf %scan3A_685#7, %gather3A_700 : vector<16xf32>
      %add3A_702 = arith.addf %sub3A, %sub3A_689 : vector<16xf32>
      %add3A_703 = arith.addf %add3A_702, %sub3A_691 : vector<16xf32>
      %add3A_704 = arith.addf %add3A_703, %sub3A_693 : vector<16xf32>
      %add3A_705 = arith.addf %add3A_704, %sub3A_695 : vector<16xf32>
      %add3A_706 = arith.addf %add3A_705, %sub3A_697 : vector<16xf32>
      %add3A_707 = arith.addf %add3A_706, %sub3A_699 : vector<16xf32>
      %add3A_708 = arith.addf %add3A_707, %sub3A_701 : vector<16xf32>
      %add3A_709 = arith.constant 9.99999968E-21 : f32
      %add3A_710 = vector.broadcast %add3A_709 : f32 to vector<16xf32>
      %add3A_711 = arith.addf %add3A_708, %add3A_710 : vector<16xf32>
      %div3A = arith.constant 2.500000e+00 : f32
      %div3A_712 = vector.broadcast %div3A : f32 to vector<16xf32>
      %div3A_713 = arith.divf %div3A_712, %add3A_711 : vector<16xf32>
      %add3A_714 = arith.constant 0 : i32
      %add3A_715 = vector.broadcast %add3A_714 : i32 to vector<16xi32>
      %add3A_716 = arith.addi %broadcast_in_dim3A_3, %add3A_715 : vector<16xi32>
      %mul3A_717 = arith.mulf %sub3A, %div3A_713 : vector<16xf32>
      tpu.vector_store_idx %arg8[%add3A_672, %add3A_716], %mul3A_717 : memref<1024x8xf32, #tpu.memory_space<vmem>>[vector<16xi32>, vector<16xi32>], vector<16xf32>,
      tpu.vector_store_idx %arg9[%add3A_672, %add3A_716], %scan3A_685#16 : memref<1024x8xi32, #tpu.memory_space<vmem>>[vector<16xi32>, vector<16xi32>], vector<16xi32>,
      %add3A_718 = arith.constant 0 : i32
      %add3A_719 = vector.broadcast %add3A_718 : i32 to vector<16xi32>
      %add3A_720 = arith.addi %iota3A, %add3A_719 : vector<16xi32>
      tpu.vector_store_idx %arg11[%scan3A_685#16, %add3A_720], %broadcast_in_dim3A_5 {add = true} : memref<64x32xi32, #tpu.memory_space<vmem>>[vector<16xi32>, vector<16xi32>], vector<16xi32>,
      %add3A_721 = arith.constant 1 : i32
      %add3A_722 = vector.broadcast %add3A_721 : i32 to vector<16xi32>
      %add3A_723 = arith.addi %broadcast_in_dim3A_3, %add3A_722 : vector<16xi32>
      %mul3A_724 = arith.mulf %sub3A_689, %div3A_713 : vector<16xf32>
      tpu.vector_store_idx %arg8[%add3A_672, %add3A_723], %mul3A_724 : memref<1024x8xf32, #tpu.memory_space<vmem>>[vector<16xi32>, vector<16xi32>], vector<16xf32>,
      tpu.vector_store_idx %arg9[%add3A_672, %add3A_723], %scan3A_685#17 : memref<1024x8xi32, #tpu.memory_space<vmem>>[vector<16xi32>, vector<16xi32>], vector<16xi32>,
      %add3A_725 = arith.constant 0 : i32
      %add3A_726 = vector.broadcast %add3A_725 : i32 to vector<16xi32>
      %add3A_727 = arith.addi %iota3A, %add3A_726 : vector<16xi32>
      tpu.vector_store_idx %arg11[%scan3A_685#17, %add3A_727], %broadcast_in_dim3A_5 {add = true} : memref<64x32xi32, #tpu.memory_space<vmem>>[vector<16xi32>, vector<16xi32>], vector<16xi32>,
      %add3A_728 = arith.constant 2 : i32
      %add3A_729 = vector.broadcast %add3A_728 : i32 to vector<16xi32>
      %add3A_730 = arith.addi %broadcast_in_dim3A_3, %add3A_729 : vector<16xi32>
      %mul3A_731 = arith.mulf %sub3A_691, %div3A_713 : vector<16xf32>
      tpu.vector_store_idx %arg8[%add3A_672, %add3A_730], %mul3A_731 : memref<1024x8xf32, #tpu.memory_space<vmem>>[vector<16xi32>, vector<16xi32>], vector<16xf32>,
      tpu.vector_store_idx %arg9[%add3A_672, %add3A_730], %scan3A_685#18 : memref<1024x8xi32, #tpu.memory_space<vmem>>[vector<16xi32>, vector<16xi32>], vector<16xi32>,
      %add3A_732 = arith.constant 0 : i32
      %add3A_733 = vector.broadcast %add3A_732 : i32 to vector<16xi32>
      %add3A_734 = arith.addi %iota3A, %add3A_733 : vector<16xi32>
      tpu.vector_store_idx %arg11[%scan3A_685#18, %add3A_734], %broadcast_in_dim3A_5 {add = true} : memref<64x32xi32, #tpu.memory_space<vmem>>[vector<16xi32>, vector<16xi32>], vector<16xi32>,
      %add3A_735 = arith.constant 3 : i32
      %add3A_736 = vector.broadcast %add3A_735 : i32 to vector<16xi32>
      %add3A_737 = arith.addi %broadcast_in_dim3A_3, %add3A_736 : vector<16xi32>
      %mul3A_738 = arith.mulf %sub3A_693, %div3A_713 : vector<16xf32>
      tpu.vector_store_idx %arg8[%add3A_672, %add3A_737], %mul3A_738 : memref<1024x8xf32, #tpu.memory_space<vmem>>[vector<16xi32>, vector<16xi32>], vector<16xf32>,
      tpu.vector_store_idx %arg9[%add3A_672, %add3A_737], %scan3A_685#19 : memref<1024x8xi32, #tpu.memory_space<vmem>>[vector<16xi32>, vector<16xi32>], vector<16xi32>,
      %add3A_739 = arith.constant 0 : i32
      %add3A_740 = vector.broadcast %add3A_739 : i32 to vector<16xi32>
      %add3A_741 = arith.addi %iota3A, %add3A_740 : vector<16xi32>
      tpu.vector_store_idx %arg11[%scan3A_685#19, %add3A_741], %broadcast_in_dim3A_5 {add = true} : memref<64x32xi32, #tpu.memory_space<vmem>>[vector<16xi32>, vector<16xi32>], vector<16xi32>,
      %add3A_742 = arith.constant 4 : i32
      %add3A_743 = vector.broadcast %add3A_742 : i32 to vector<16xi32>
      %add3A_744 = arith.addi %broadcast_in_dim3A_3, %add3A_743 : vector<16xi32>
      %mul3A_745 = arith.mulf %sub3A_695, %div3A_713 : vector<16xf32>
      tpu.vector_store_idx %arg8[%add3A_672, %add3A_744], %mul3A_745 : memref<1024x8xf32, #tpu.memory_space<vmem>>[vector<16xi32>, vector<16xi32>], vector<16xf32>,
      tpu.vector_store_idx %arg9[%add3A_672, %add3A_744], %scan3A_685#20 : memref<1024x8xi32, #tpu.memory_space<vmem>>[vector<16xi32>, vector<16xi32>], vector<16xi32>,
      %add3A_746 = arith.constant 0 : i32
      %add3A_747 = vector.broadcast %add3A_746 : i32 to vector<16xi32>
      %add3A_748 = arith.addi %iota3A, %add3A_747 : vector<16xi32>
      tpu.vector_store_idx %arg11[%scan3A_685#20, %add3A_748], %broadcast_in_dim3A_5 {add = true} : memref<64x32xi32, #tpu.memory_space<vmem>>[vector<16xi32>, vector<16xi32>], vector<16xi32>,
      %add3A_749 = arith.constant 5 : i32
      %add3A_750 = vector.broadcast %add3A_749 : i32 to vector<16xi32>
      %add3A_751 = arith.addi %broadcast_in_dim3A_3, %add3A_750 : vector<16xi32>
      %mul3A_752 = arith.mulf %sub3A_697, %div3A_713 : vector<16xf32>
      tpu.vector_store_idx %arg8[%add3A_672, %add3A_751], %mul3A_752 : memref<1024x8xf32, #tpu.memory_space<vmem>>[vector<16xi32>, vector<16xi32>], vector<16xf32>,
      tpu.vector_store_idx %arg9[%add3A_672, %add3A_751], %scan3A_685#21 : memref<1024x8xi32, #tpu.memory_space<vmem>>[vector<16xi32>, vector<16xi32>], vector<16xi32>,
      %add3A_753 = arith.constant 0 : i32
      %add3A_754 = vector.broadcast %add3A_753 : i32 to vector<16xi32>
      %add3A_755 = arith.addi %iota3A, %add3A_754 : vector<16xi32>
      tpu.vector_store_idx %arg11[%scan3A_685#21, %add3A_755], %broadcast_in_dim3A_5 {add = true} : memref<64x32xi32, #tpu.memory_space<vmem>>[vector<16xi32>, vector<16xi32>], vector<16xi32>,
      %add3A_756 = arith.constant 6 : i32
      %add3A_757 = vector.broadcast %add3A_756 : i32 to vector<16xi32>
      %add3A_758 = arith.addi %broadcast_in_dim3A_3, %add3A_757 : vector<16xi32>
      %mul3A_759 = arith.mulf %sub3A_699, %div3A_713 : vector<16xf32>
      tpu.vector_store_idx %arg8[%add3A_672, %add3A_758], %mul3A_759 : memref<1024x8xf32, #tpu.memory_space<vmem>>[vector<16xi32>, vector<16xi32>], vector<16xf32>,
      tpu.vector_store_idx %arg9[%add3A_672, %add3A_758], %scan3A_685#22 : memref<1024x8xi32, #tpu.memory_space<vmem>>[vector<16xi32>, vector<16xi32>], vector<16xi32>,
      %add3A_760 = arith.constant 0 : i32
      %add3A_761 = vector.broadcast %add3A_760 : i32 to vector<16xi32>
      %add3A_762 = arith.addi %iota3A, %add3A_761 : vector<16xi32>
      tpu.vector_store_idx %arg11[%scan3A_685#22, %add3A_762], %broadcast_in_dim3A_5 {add = true} : memref<64x32xi32, #tpu.memory_space<vmem>>[vector<16xi32>, vector<16xi32>], vector<16xi32>,
      %add3A_763 = arith.constant 7 : i32
      %add3A_764 = vector.broadcast %add3A_763 : i32 to vector<16xi32>
      %add3A_765 = arith.addi %broadcast_in_dim3A_3, %add3A_764 : vector<16xi32>
      %mul3A_766 = arith.mulf %sub3A_701, %div3A_713 : vector<16xf32>
      tpu.vector_store_idx %arg8[%add3A_672, %add3A_765], %mul3A_766 : memref<1024x8xf32, #tpu.memory_space<vmem>>[vector<16xi32>, vector<16xi32>], vector<16xf32>,
      tpu.vector_store_idx %arg9[%add3A_672, %add3A_765], %scan3A_685#23 : memref<1024x8xi32, #tpu.memory_space<vmem>>[vector<16xi32>, vector<16xi32>], vector<16xi32>,
      %add3A_767 = arith.constant 0 : i32
      %add3A_768 = vector.broadcast %add3A_767 : i32 to vector<16xi32>
      %add3A_769 = arith.addi %iota3A, %add3A_768 : vector<16xi32>
      tpu.vector_store_idx %arg11[%scan3A_685#23, %add3A_769], %broadcast_in_dim3A_5 {add = true} : memref<64x32xi32, #tpu.memory_space<vmem>>[vector<16xi32>, vector<16xi32>], vector<16xi32>,
      %gather3A_770 = tpu.vector_load_idx %arg10[%scan3A_685#24] : memref<64xf32, #tpu.memory_space<vmem>>[vector<16xi32>], vector<16xf32>,
      %sub3A_771 = arith.subf %scan3A_685#8, %gather3A_770 : vector<16xf32>
      %gather3A_772 = tpu.vector_load_idx %arg10[%scan3A_685#25] : memref<64xf32, #tpu.memory_space<vmem>>[vector<16xi32>], vector<16xf32>,
      %sub3A_773 = arith.subf %scan3A_685#9, %gather3A_772 : vector<16xf32>
      %gather3A_774 = tpu.vector_load_idx %arg10[%scan3A_685#26] : memref<64xf32, #tpu.memory_space<vmem>>[vector<16xi32>], vector<16xf32>,
      %sub3A_775 = arith.subf %scan3A_685#10, %gather3A_774 : vector<16xf32>
      %gather3A_776 = tpu.vector_load_idx %arg10[%scan3A_685#27] : memref<64xf32, #tpu.memory_space<vmem>>[vector<16xi32>], vector<16xf32>,
      %sub3A_777 = arith.subf %scan3A_685#11, %gather3A_776 : vector<16xf32>
      %gather3A_778 = tpu.vector_load_idx %arg10[%scan3A_685#28] : memref<64xf32, #tpu.memory_space<vmem>>[vector<16xi32>], vector<16xf32>,
      %sub3A_779 = arith.subf %scan3A_685#12, %gather3A_778 : vector<16xf32>
      %gather3A_780 = tpu.vector_load_idx %arg10[%scan3A_685#29] : memref<64xf32, #tpu.memory_space<vmem>>[vector<16xi32>], vector<16xf32>,
      %sub3A_781 = arith.subf %scan3A_685#13, %gather3A_780 : vector<16xf32>
      %gather3A_782 = tpu.vector_load_idx %arg10[%scan3A_685#30] : memref<64xf32, #tpu.memory_space<vmem>>[vector<16xi32>], vector<16xf32>,
      %sub3A_783 = arith.subf %scan3A_685#14, %gather3A_782 : vector<16xf32>
      %gather3A_784 = tpu.vector_load_idx %arg10[%scan3A_685#31] : memref<64xf32, #tpu.memory_space<vmem>>[vector<16xi32>], vector<16xf32>,
      %sub3A_785 = arith.subf %scan3A_685#15, %gather3A_784 : vector<16xf32>
      %add3A_786 = arith.addf %sub3A_771, %sub3A_773 : vector<16xf32>
      %add3A_787 = arith.addf %add3A_786, %sub3A_775 : vector<16xf32>
      %add3A_788 = arith.addf %add3A_787, %sub3A_777 : vector<16xf32>
      %add3A_789 = arith.addf %add3A_788, %sub3A_779 : vector<16xf32>
      %add3A_790 = arith.addf %add3A_789, %sub3A_781 : vector<16xf32>
      %add3A_791 = arith.addf %add3A_790, %sub3A_783 : vector<16xf32>
      %add3A_792 = arith.addf %add3A_791, %sub3A_785 : vector<16xf32>
      %add3A_793 = arith.constant 9.99999968E-21 : f32
      %add3A_794 = vector.broadcast %add3A_793 : f32 to vector<16xf32>
      %add3A_795 = arith.addf %add3A_792, %add3A_794 : vector<16xf32>
      %div3A_796 = arith.constant 2.500000e+00 : f32
      %div3A_797 = vector.broadcast %div3A_796 : f32 to vector<16xf32>
      %div3A_798 = arith.divf %div3A_797, %add3A_795 : vector<16xf32>
      %add3A_799 = arith.constant 0 : i32
      %add3A_800 = vector.broadcast %add3A_799 : i32 to vector<16xi32>
      %add3A_801 = arith.addi %broadcast_in_dim3A_3, %add3A_800 : vector<16xi32>
      %mul3A_802 = arith.mulf %sub3A_771, %div3A_798 : vector<16xf32>
      tpu.vector_store_idx %arg8[%add3A_680, %add3A_801], %mul3A_802 : memref<1024x8xf32, #tpu.memory_space<vmem>>[vector<16xi32>, vector<16xi32>], vector<16xf32>,
      tpu.vector_store_idx %arg9[%add3A_680, %add3A_801], %scan3A_685#24 : memref<1024x8xi32, #tpu.memory_space<vmem>>[vector<16xi32>, vector<16xi32>], vector<16xi32>,
      %add3A_803 = arith.constant 16 : i32
      %add3A_804 = vector.broadcast %add3A_803 : i32 to vector<16xi32>
      %add3A_805 = arith.addi %iota3A, %add3A_804 : vector<16xi32>
      tpu.vector_store_idx %arg11[%scan3A_685#24, %add3A_805], %broadcast_in_dim3A_5 {add = true} : memref<64x32xi32, #tpu.memory_space<vmem>>[vector<16xi32>, vector<16xi32>], vector<16xi32>,
      %add3A_806 = arith.constant 1 : i32
      %add3A_807 = vector.broadcast %add3A_806 : i32 to vector<16xi32>
      %add3A_808 = arith.addi %broadcast_in_dim3A_3, %add3A_807 : vector<16xi32>
      %mul3A_809 = arith.mulf %sub3A_773, %div3A_798 : vector<16xf32>
      tpu.vector_store_idx %arg8[%add3A_680, %add3A_808], %mul3A_809 : memref<1024x8xf32, #tpu.memory_space<vmem>>[vector<16xi32>, vector<16xi32>], vector<16xf32>,
      tpu.vector_store_idx %arg9[%add3A_680, %add3A_808], %scan3A_685#25 : memref<1024x8xi32, #tpu.memory_space<vmem>>[vector<16xi32>, vector<16xi32>], vector<16xi32>,
      %add3A_810 = arith.constant 16 : i32
      %add3A_811 = vector.broadcast %add3A_810 : i32 to vector<16xi32>
      %add3A_812 = arith.addi %iota3A, %add3A_811 : vector<16xi32>
      tpu.vector_store_idx %arg11[%scan3A_685#25, %add3A_812], %broadcast_in_dim3A_5 {add = true} : memref<64x32xi32, #tpu.memory_space<vmem>>[vector<16xi32>, vector<16xi32>], vector<16xi32>,
      %add3A_813 = arith.constant 2 : i32
      %add3A_814 = vector.broadcast %add3A_813 : i32 to vector<16xi32>
      %add3A_815 = arith.addi %broadcast_in_dim3A_3, %add3A_814 : vector<16xi32>
      %mul3A_816 = arith.mulf %sub3A_775, %div3A_798 : vector<16xf32>
      tpu.vector_store_idx %arg8[%add3A_680, %add3A_815], %mul3A_816 : memref<1024x8xf32, #tpu.memory_space<vmem>>[vector<16xi32>, vector<16xi32>], vector<16xf32>,
      tpu.vector_store_idx %arg9[%add3A_680, %add3A_815], %scan3A_685#26 : memref<1024x8xi32, #tpu.memory_space<vmem>>[vector<16xi32>, vector<16xi32>], vector<16xi32>,
      %add3A_817 = arith.constant 16 : i32
      %add3A_818 = vector.broadcast %add3A_817 : i32 to vector<16xi32>
      %add3A_819 = arith.addi %iota3A, %add3A_818 : vector<16xi32>
      tpu.vector_store_idx %arg11[%scan3A_685#26, %add3A_819], %broadcast_in_dim3A_5 {add = true} : memref<64x32xi32, #tpu.memory_space<vmem>>[vector<16xi32>, vector<16xi32>], vector<16xi32>,
      %add3A_820 = arith.constant 3 : i32
      %add3A_821 = vector.broadcast %add3A_820 : i32 to vector<16xi32>
      %add3A_822 = arith.addi %broadcast_in_dim3A_3, %add3A_821 : vector<16xi32>
      %mul3A_823 = arith.mulf %sub3A_777, %div3A_798 : vector<16xf32>
      tpu.vector_store_idx %arg8[%add3A_680, %add3A_822], %mul3A_823 : memref<1024x8xf32, #tpu.memory_space<vmem>>[vector<16xi32>, vector<16xi32>], vector<16xf32>,
      tpu.vector_store_idx %arg9[%add3A_680, %add3A_822], %scan3A_685#27 : memref<1024x8xi32, #tpu.memory_space<vmem>>[vector<16xi32>, vector<16xi32>], vector<16xi32>,
      %add3A_824 = arith.constant 16 : i32
      %add3A_825 = vector.broadcast %add3A_824 : i32 to vector<16xi32>
      %add3A_826 = arith.addi %iota3A, %add3A_825 : vector<16xi32>
      tpu.vector_store_idx %arg11[%scan3A_685#27, %add3A_826], %broadcast_in_dim3A_5 {add = true} : memref<64x32xi32, #tpu.memory_space<vmem>>[vector<16xi32>, vector<16xi32>], vector<16xi32>,
      %add3A_827 = arith.constant 4 : i32
      %add3A_828 = vector.broadcast %add3A_827 : i32 to vector<16xi32>
      %add3A_829 = arith.addi %broadcast_in_dim3A_3, %add3A_828 : vector<16xi32>
      %mul3A_830 = arith.mulf %sub3A_779, %div3A_798 : vector<16xf32>
      tpu.vector_store_idx %arg8[%add3A_680, %add3A_829], %mul3A_830 : memref<1024x8xf32, #tpu.memory_space<vmem>>[vector<16xi32>, vector<16xi32>], vector<16xf32>,
      tpu.vector_store_idx %arg9[%add3A_680, %add3A_829], %scan3A_685#28 : memref<1024x8xi32, #tpu.memory_space<vmem>>[vector<16xi32>, vector<16xi32>], vector<16xi32>,
      %add3A_831 = arith.constant 16 : i32
      %add3A_832 = vector.broadcast %add3A_831 : i32 to vector<16xi32>
      %add3A_833 = arith.addi %iota3A, %add3A_832 : vector<16xi32>
      tpu.vector_store_idx %arg11[%scan3A_685#28, %add3A_833], %broadcast_in_dim3A_5 {add = true} : memref<64x32xi32, #tpu.memory_space<vmem>>[vector<16xi32>, vector<16xi32>], vector<16xi32>,
      %add3A_834 = arith.constant 5 : i32
      %add3A_835 = vector.broadcast %add3A_834 : i32 to vector<16xi32>
      %add3A_836 = arith.addi %broadcast_in_dim3A_3, %add3A_835 : vector<16xi32>
      %mul3A_837 = arith.mulf %sub3A_781, %div3A_798 : vector<16xf32>
      tpu.vector_store_idx %arg8[%add3A_680, %add3A_836], %mul3A_837 : memref<1024x8xf32, #tpu.memory_space<vmem>>[vector<16xi32>, vector<16xi32>], vector<16xf32>,
      tpu.vector_store_idx %arg9[%add3A_680, %add3A_836], %scan3A_685#29 : memref<1024x8xi32, #tpu.memory_space<vmem>>[vector<16xi32>, vector<16xi32>], vector<16xi32>,
      %add3A_838 = arith.constant 16 : i32
      %add3A_839 = vector.broadcast %add3A_838 : i32 to vector<16xi32>
      %add3A_840 = arith.addi %iota3A, %add3A_839 : vector<16xi32>
      tpu.vector_store_idx %arg11[%scan3A_685#29, %add3A_840], %broadcast_in_dim3A_5 {add = true} : memref<64x32xi32, #tpu.memory_space<vmem>>[vector<16xi32>, vector<16xi32>], vector<16xi32>,
      %add3A_841 = arith.constant 6 : i32
      %add3A_842 = vector.broadcast %add3A_841 : i32 to vector<16xi32>
      %add3A_843 = arith.addi %broadcast_in_dim3A_3, %add3A_842 : vector<16xi32>
      %mul3A_844 = arith.mulf %sub3A_783, %div3A_798 : vector<16xf32>
      tpu.vector_store_idx %arg8[%add3A_680, %add3A_843], %mul3A_844 : memref<1024x8xf32, #tpu.memory_space<vmem>>[vector<16xi32>, vector<16xi32>], vector<16xf32>,
      tpu.vector_store_idx %arg9[%add3A_680, %add3A_843], %scan3A_685#30 : memref<1024x8xi32, #tpu.memory_space<vmem>>[vector<16xi32>, vector<16xi32>], vector<16xi32>,
      %add3A_845 = arith.constant 16 : i32
      %add3A_846 = vector.broadcast %add3A_845 : i32 to vector<16xi32>
      %add3A_847 = arith.addi %iota3A, %add3A_846 : vector<16xi32>
      tpu.vector_store_idx %arg11[%scan3A_685#30, %add3A_847], %broadcast_in_dim3A_5 {add = true} : memref<64x32xi32, #tpu.memory_space<vmem>>[vector<16xi32>, vector<16xi32>], vector<16xi32>,
      %add3A_848 = arith.constant 7 : i32
      %add3A_849 = vector.broadcast %add3A_848 : i32 to vector<16xi32>
      %add3A_850 = arith.addi %broadcast_in_dim3A_3, %add3A_849 : vector<16xi32>
      %mul3A_851 = arith.mulf %sub3A_785, %div3A_798 : vector<16xf32>
      tpu.vector_store_idx %arg8[%add3A_680, %add3A_850], %mul3A_851 : memref<1024x8xf32, #tpu.memory_space<vmem>>[vector<16xi32>, vector<16xi32>], vector<16xf32>,
      tpu.vector_store_idx %arg9[%add3A_680, %add3A_850], %scan3A_685#31 : memref<1024x8xi32, #tpu.memory_space<vmem>>[vector<16xi32>, vector<16xi32>], vector<16xi32>,
      %add3A_852 = arith.constant 16 : i32
      %add3A_853 = vector.broadcast %add3A_852 : i32 to vector<16xi32>
      %add3A_854 = arith.addi %iota3A, %add3A_853 : vector<16xi32>
      tpu.vector_store_idx %arg11[%scan3A_685#31, %add3A_854], %broadcast_in_dim3A_5 {add = true} : memref<64x32xi32, #tpu.memory_space<vmem>>[vector<16xi32>, vector<16xi32>], vector<16xi32>,
      %scan3A_855 = arith.constant 0 : i32
      scf.yield %scan3A_855 : i32
    }
    %scan3A_20 = arith.constant 32 : i32
    "tpu.region"() ({
      %run_scoped3A = tpu.sem_alloc : memref<!tpu.dma_semaphore, #tpu.memory_space<semaphore_mem>>
      %dma_start3A = arith.constant 0 : i32
      %dma_start3A_663 = tpu.memref_slice %arg4[%mul3A_2, %dma_start3A] : memref<32768x8xf32, #tpu.memory_space<hbm>> -> memref<1024x8xf32, #tpu.memory_space<hbm>>
      %dma_start3A_664 = arith.constant 0 : i32
      %dma_start3A_665 = tpu.memref_slice %arg4[%mul3A_2, %dma_start3A_664] : memref<32768x8xf32, #tpu.memory_space<hbm>> -> memref<1024x8xf32, #tpu.memory_space<hbm>>
      tpu.enqueue_dma source(%arg8 : memref<1024x8xf32, #tpu.memory_space<vmem>>) target(%dma_start3A_665 : memref<1024x8xf32, #tpu.memory_space<hbm>>) target_semaphore(%run_scoped3A : memref<!tpu.dma_semaphore, #tpu.memory_space<semaphore_mem>>)
      %dma_wait3A = arith.constant 0 : i32
      %dma_wait3A_666 = tpu.memref_slice %arg4[%mul3A_2, %dma_wait3A] : memref<32768x8xf32, #tpu.memory_space<hbm>> -> memref<1024x8xf32, #tpu.memory_space<hbm>>
      %dma_wait3A_667 = arith.constant 0 : i32
      %dma_wait3A_668 = tpu.memref_slice %arg4[%mul3A_2, %dma_wait3A_667] : memref<32768x8xf32, #tpu.memory_space<hbm>> -> memref<1024x8xf32, #tpu.memory_space<hbm>>
      tpu.wait_dma2 semaphore(%run_scoped3A : memref<!tpu.dma_semaphore, #tpu.memory_space<semaphore_mem>>) src(%arg8 : memref<1024x8xf32, #tpu.memory_space<vmem>>) dst(%dma_wait3A_668 : memref<1024x8xf32, #tpu.memory_space<hbm>>)
      tpu.yield
    }) : () -> ()
    "tpu.region"() ({
      %run_scoped3A = tpu.sem_alloc : memref<!tpu.dma_semaphore, #tpu.memory_space<semaphore_mem>>
      %dma_start3A = arith.constant 0 : i32
      %dma_start3A_663 = tpu.memref_slice %arg5[%mul3A_2, %dma_start3A] : memref<32768x8xi32, #tpu.memory_space<hbm>> -> memref<1024x8xi32, #tpu.memory_space<hbm>>
      %dma_start3A_664 = arith.constant 0 : i32
      %dma_start3A_665 = tpu.memref_slice %arg5[%mul3A_2, %dma_start3A_664] : memref<32768x8xi32, #tpu.memory_space<hbm>> -> memref<1024x8xi32, #tpu.memory_space<hbm>>
      tpu.enqueue_dma source(%arg9 : memref<1024x8xi32, #tpu.memory_space<vmem>>) target(%dma_start3A_665 : memref<1024x8xi32, #tpu.memory_space<hbm>>) target_semaphore(%run_scoped3A : memref<!tpu.dma_semaphore, #tpu.memory_space<semaphore_mem>>)
      %dma_wait3A = arith.constant 0 : i32
      %dma_wait3A_666 = tpu.memref_slice %arg5[%mul3A_2, %dma_wait3A] : memref<32768x8xi32, #tpu.memory_space<hbm>> -> memref<1024x8xi32, #tpu.memory_space<hbm>>
      %dma_wait3A_667 = arith.constant 0 : i32
      %dma_wait3A_668 = tpu.memref_slice %arg5[%mul3A_2, %dma_wait3A_667] : memref<32768x8xi32, #tpu.memory_space<hbm>> -> memref<1024x8xi32, #tpu.memory_space<hbm>>
      tpu.wait_dma2 semaphore(%run_scoped3A : memref<!tpu.dma_semaphore, #tpu.memory_space<semaphore_mem>>) src(%arg9 : memref<1024x8xi32, #tpu.memory_space<vmem>>) dst(%dma_wait3A_668 : memref<1024x8xi32, #tpu.memory_space<hbm>>)
      tpu.yield
    }) : () -> ()
    %add3A_21 = arith.constant 0 : i32
    %add3A_22 = vector.broadcast %add3A_21 : i32 to vector<16xi32>
    %add3A_23 = arith.addi %iota3A, %add3A_22 : vector<16xi32>
    %gather3A = tpu.vector_load_idx %arg11[%add3A_23, %broadcast_in_dim3A_3] : memref<64x32xi32, #tpu.memory_space<vmem>>[vector<16xi32>, vector<16xi32>], vector<16xi32>,
    %add3A_24 = arith.constant 1 : i32
    %add3A_25 = vector.broadcast %add3A_24 : i32 to vector<16xi32>
    %add3A_26 = arith.addi %broadcast_in_dim3A_3, %add3A_25 : vector<16xi32>
    %gather3A_27 = tpu.vector_load_idx %arg11[%add3A_23, %add3A_26] : memref<64x32xi32, #tpu.memory_space<vmem>>[vector<16xi32>, vector<16xi32>], vector<16xi32>,
    %add3A_28 = arith.addi %gather3A, %gather3A_27 : vector<16xi32>
    %add3A_29 = arith.constant 2 : i32
    %add3A_30 = vector.broadcast %add3A_29 : i32 to vector<16xi32>
    %add3A_31 = arith.addi %broadcast_in_dim3A_3, %add3A_30 : vector<16xi32>
    %gather3A_32 = tpu.vector_load_idx %arg11[%add3A_23, %add3A_31] : memref<64x32xi32, #tpu.memory_space<vmem>>[vector<16xi32>, vector<16xi32>], vector<16xi32>,
    %add3A_33 = arith.addi %add3A_28, %gather3A_32 : vector<16xi32>
    %add3A_34 = arith.constant 3 : i32
    %add3A_35 = vector.broadcast %add3A_34 : i32 to vector<16xi32>
    %add3A_36 = arith.addi %broadcast_in_dim3A_3, %add3A_35 : vector<16xi32>
    %gather3A_37 = tpu.vector_load_idx %arg11[%add3A_23, %add3A_36] : memref<64x32xi32, #tpu.memory_space<vmem>>[vector<16xi32>, vector<16xi32>], vector<16xi32>,
    %add3A_38 = arith.addi %add3A_33, %gather3A_37 : vector<16xi32>
    %add3A_39 = arith.constant 4 : i32
    %add3A_40 = vector.broadcast %add3A_39 : i32 to vector<16xi32>
    %add3A_41 = arith.addi %broadcast_in_dim3A_3, %add3A_40 : vector<16xi32>
    %gather3A_42 = tpu.vector_load_idx %arg11[%add3A_23, %add3A_41] : memref<64x32xi32, #tpu.memory_space<vmem>>[vector<16xi32>, vector<16xi32>], vector<16xi32>,
    %add3A_43 = arith.addi %add3A_38, %gather3A_42 : vector<16xi32>
    %add3A_44 = arith.constant 5 : i32
    %add3A_45 = vector.broadcast %add3A_44 : i32 to vector<16xi32>
    %add3A_46 = arith.addi %broadcast_in_dim3A_3, %add3A_45 : vector<16xi32>
    %gather3A_47 = tpu.vector_load_idx %arg11[%add3A_23, %add3A_46] : memref<64x32xi32, #tpu.memory_space<vmem>>[vector<16xi32>, vector<16xi32>], vector<16xi32>,
    %add3A_48 = arith.addi %add3A_43, %gather3A_47 : vector<16xi32>
    %add3A_49 = arith.constant 6 : i32
    %add3A_50 = vector.broadcast %add3A_49 : i32 to vector<16xi32>
    %add3A_51 = arith.addi %broadcast_in_dim3A_3, %add3A_50 : vector<16xi32>
    %gather3A_52 = tpu.vector_load_idx %arg11[%add3A_23, %add3A_51] : memref<64x32xi32, #tpu.memory_space<vmem>>[vector<16xi32>, vector<16xi32>], vector<16xi32>,
    %add3A_53 = arith.addi %add3A_48, %gather3A_52 : vector<16xi32>
    %add3A_54 = arith.constant 7 : i32
    %add3A_55 = vector.broadcast %add3A_54 : i32 to vector<16xi32>
    %add3A_56 = arith.addi %broadcast_in_dim3A_3, %add3A_55 : vector<16xi32>
    %gather3A_57 = tpu.vector_load_idx %arg11[%add3A_23, %add3A_56] : memref<64x32xi32, #tpu.memory_space<vmem>>[vector<16xi32>, vector<16xi32>], vector<16xi32>,
    %add3A_58 = arith.addi %add3A_53, %gather3A_57 : vector<16xi32>
    %add3A_59 = arith.constant 8 : i32
    %add3A_60 = vector.broadcast %add3A_59 : i32 to vector<16xi32>
    %add3A_61 = arith.addi %broadcast_in_dim3A_3, %add3A_60 : vector<16xi32>
    %gather3A_62 = tpu.vector_load_idx %arg11[%add3A_23, %add3A_61] : memref<64x32xi32, #tpu.memory_space<vmem>>[vector<16xi32>, vector<16xi32>], vector<16xi32>,
    %add3A_63 = arith.addi %add3A_58, %gather3A_62 : vector<16xi32>
    %add3A_64 = arith.constant 9 : i32
    %add3A_65 = vector.broadcast %add3A_64 : i32 to vector<16xi32>
    %add3A_66 = arith.addi %broadcast_in_dim3A_3, %add3A_65 : vector<16xi32>
    %gather3A_67 = tpu.vector_load_idx %arg11[%add3A_23, %add3A_66] : memref<64x32xi32, #tpu.memory_space<vmem>>[vector<16xi32>, vector<16xi32>], vector<16xi32>,
    %add3A_68 = arith.addi %add3A_63, %gather3A_67 : vector<16xi32>
    %add3A_69 = arith.constant 10 : i32
    %add3A_70 = vector.broadcast %add3A_69 : i32 to vector<16xi32>
    %add3A_71 = arith.addi %broadcast_in_dim3A_3, %add3A_70 : vector<16xi32>
    %gather3A_72 = tpu.vector_load_idx %arg11[%add3A_23, %add3A_71] : memref<64x32xi32, #tpu.memory_space<vmem>>[vector<16xi32>, vector<16xi32>], vector<16xi32>,
    %add3A_73 = arith.addi %add3A_68, %gather3A_72 : vector<16xi32>
    %add3A_74 = arith.constant 11 : i32
    %add3A_75 = vector.broadcast %add3A_74 : i32 to vector<16xi32>
    %add3A_76 = arith.addi %broadcast_in_dim3A_3, %add3A_75 : vector<16xi32>
    %gather3A_77 = tpu.vector_load_idx %arg11[%add3A_23, %add3A_76] : memref<64x32xi32, #tpu.memory_space<vmem>>[vector<16xi32>, vector<16xi32>], vector<16xi32>,
    %add3A_78 = arith.addi %add3A_73, %gather3A_77 : vector<16xi32>
    %add3A_79 = arith.constant 12 : i32
    %add3A_80 = vector.broadcast %add3A_79 : i32 to vector<16xi32>
    %add3A_81 = arith.addi %broadcast_in_dim3A_3, %add3A_80 : vector<16xi32>
    %gather3A_82 = tpu.vector_load_idx %arg11[%add3A_23, %add3A_81] : memref<64x32xi32, #tpu.memory_space<vmem>>[vector<16xi32>, vector<16xi32>], vector<16xi32>,
    %add3A_83 = arith.addi %add3A_78, %gather3A_82 : vector<16xi32>
    %add3A_84 = arith.constant 13 : i32
    %add3A_85 = vector.broadcast %add3A_84 : i32 to vector<16xi32>
    %add3A_86 = arith.addi %broadcast_in_dim3A_3, %add3A_85 : vector<16xi32>
    %gather3A_87 = tpu.vector_load_idx %arg11[%add3A_23, %add3A_86] : memref<64x32xi32, #tpu.memory_space<vmem>>[vector<16xi32>, vector<16xi32>], vector<16xi32>,
    %add3A_88 = arith.addi %add3A_83, %gather3A_87 : vector<16xi32>
    %add3A_89 = arith.constant 14 : i32
    %add3A_90 = vector.broadcast %add3A_89 : i32 to vector<16xi32>
    %add3A_91 = arith.addi %broadcast_in_dim3A_3, %add3A_90 : vector<16xi32>
    %gather3A_92 = tpu.vector_load_idx %arg11[%add3A_23, %add3A_91] : memref<64x32xi32, #tpu.memory_space<vmem>>[vector<16xi32>, vector<16xi32>], vector<16xi32>,
    %add3A_93 = arith.addi %add3A_88, %gather3A_92 : vector<16xi32>
    %add3A_94 = arith.constant 15 : i32
    %add3A_95 = vector.broadcast %add3A_94 : i32 to vector<16xi32>
    %add3A_96 = arith.addi %broadcast_in_dim3A_3, %add3A_95 : vector<16xi32>
    %gather3A_97 = tpu.vector_load_idx %arg11[%add3A_23, %add3A_96] : memref<64x32xi32, #tpu.memory_space<vmem>>[vector<16xi32>, vector<16xi32>], vector<16xi32>,
    %add3A_98 = arith.addi %add3A_93, %gather3A_97 : vector<16xi32>
    %add3A_99 = arith.constant 16 : i32
    %add3A_100 = vector.broadcast %add3A_99 : i32 to vector<16xi32>
    %add3A_101 = arith.addi %broadcast_in_dim3A_3, %add3A_100 : vector<16xi32>
    %gather3A_102 = tpu.vector_load_idx %arg11[%add3A_23, %add3A_101] : memref<64x32xi32, #tpu.memory_space<vmem>>[vector<16xi32>, vector<16xi32>], vector<16xi32>,
    %add3A_103 = arith.addi %add3A_98, %gather3A_102 : vector<16xi32>
    %add3A_104 = arith.constant 17 : i32
    %add3A_105 = vector.broadcast %add3A_104 : i32 to vector<16xi32>
    %add3A_106 = arith.addi %broadcast_in_dim3A_3, %add3A_105 : vector<16xi32>
    %gather3A_107 = tpu.vector_load_idx %arg11[%add3A_23, %add3A_106] : memref<64x32xi32, #tpu.memory_space<vmem>>[vector<16xi32>, vector<16xi32>], vector<16xi32>,
    %add3A_108 = arith.addi %add3A_103, %gather3A_107 : vector<16xi32>
    %add3A_109 = arith.constant 18 : i32
    %add3A_110 = vector.broadcast %add3A_109 : i32 to vector<16xi32>
    %add3A_111 = arith.addi %broadcast_in_dim3A_3, %add3A_110 : vector<16xi32>
    %gather3A_112 = tpu.vector_load_idx %arg11[%add3A_23, %add3A_111] : memref<64x32xi32, #tpu.memory_space<vmem>>[vector<16xi32>, vector<16xi32>], vector<16xi32>,
    %add3A_113 = arith.addi %add3A_108, %gather3A_112 : vector<16xi32>
    %add3A_114 = arith.constant 19 : i32
    %add3A_115 = vector.broadcast %add3A_114 : i32 to vector<16xi32>
    %add3A_116 = arith.addi %broadcast_in_dim3A_3, %add3A_115 : vector<16xi32>
    %gather3A_117 = tpu.vector_load_idx %arg11[%add3A_23, %add3A_116] : memref<64x32xi32, #tpu.memory_space<vmem>>[vector<16xi32>, vector<16xi32>], vector<16xi32>,
    %add3A_118 = arith.addi %add3A_113, %gather3A_117 : vector<16xi32>
    %add3A_119 = arith.constant 20 : i32
    %add3A_120 = vector.broadcast %add3A_119 : i32 to vector<16xi32>
    %add3A_121 = arith.addi %broadcast_in_dim3A_3, %add3A_120 : vector<16xi32>
    %gather3A_122 = tpu.vector_load_idx %arg11[%add3A_23, %add3A_121] : memref<64x32xi32, #tpu.memory_space<vmem>>[vector<16xi32>, vector<16xi32>], vector<16xi32>,
    %add3A_123 = arith.addi %add3A_118, %gather3A_122 : vector<16xi32>
    %add3A_124 = arith.constant 21 : i32
    %add3A_125 = vector.broadcast %add3A_124 : i32 to vector<16xi32>
    %add3A_126 = arith.addi %broadcast_in_dim3A_3, %add3A_125 : vector<16xi32>
    %gather3A_127 = tpu.vector_load_idx %arg11[%add3A_23, %add3A_126] : memref<64x32xi32, #tpu.memory_space<vmem>>[vector<16xi32>, vector<16xi32>], vector<16xi32>,
    %add3A_128 = arith.addi %add3A_123, %gather3A_127 : vector<16xi32>
    %add3A_129 = arith.constant 22 : i32
    %add3A_130 = vector.broadcast %add3A_129 : i32 to vector<16xi32>
    %add3A_131 = arith.addi %broadcast_in_dim3A_3, %add3A_130 : vector<16xi32>
    %gather3A_132 = tpu.vector_load_idx %arg11[%add3A_23, %add3A_131] : memref<64x32xi32, #tpu.memory_space<vmem>>[vector<16xi32>, vector<16xi32>], vector<16xi32>,
    %add3A_133 = arith.addi %add3A_128, %gather3A_132 : vector<16xi32>
    %add3A_134 = arith.constant 23 : i32
    %add3A_135 = vector.broadcast %add3A_134 : i32 to vector<16xi32>
    %add3A_136 = arith.addi %broadcast_in_dim3A_3, %add3A_135 : vector<16xi32>
    %gather3A_137 = tpu.vector_load_idx %arg11[%add3A_23, %add3A_136] : memref<64x32xi32, #tpu.memory_space<vmem>>[vector<16xi32>, vector<16xi32>], vector<16xi32>,
    %add3A_138 = arith.addi %add3A_133, %gather3A_137 : vector<16xi32>
    %add3A_139 = arith.constant 24 : i32
    %add3A_140 = vector.broadcast %add3A_139 : i32 to vector<16xi32>
    %add3A_141 = arith.addi %broadcast_in_dim3A_3, %add3A_140 : vector<16xi32>
    %gather3A_142 = tpu.vector_load_idx %arg11[%add3A_23, %add3A_141] : memref<64x32xi32, #tpu.memory_space<vmem>>[vector<16xi32>, vector<16xi32>], vector<16xi32>,
    %add3A_143 = arith.addi %add3A_138, %gather3A_142 : vector<16xi32>
    %add3A_144 = arith.constant 25 : i32
    %add3A_145 = vector.broadcast %add3A_144 : i32 to vector<16xi32>
    %add3A_146 = arith.addi %broadcast_in_dim3A_3, %add3A_145 : vector<16xi32>
    %gather3A_147 = tpu.vector_load_idx %arg11[%add3A_23, %add3A_146] : memref<64x32xi32, #tpu.memory_space<vmem>>[vector<16xi32>, vector<16xi32>], vector<16xi32>,
    %add3A_148 = arith.addi %add3A_143, %gather3A_147 : vector<16xi32>
    %add3A_149 = arith.constant 26 : i32
    %add3A_150 = vector.broadcast %add3A_149 : i32 to vector<16xi32>
    %add3A_151 = arith.addi %broadcast_in_dim3A_3, %add3A_150 : vector<16xi32>
    %gather3A_152 = tpu.vector_load_idx %arg11[%add3A_23, %add3A_151] : memref<64x32xi32, #tpu.memory_space<vmem>>[vector<16xi32>, vector<16xi32>], vector<16xi32>,
    %add3A_153 = arith.addi %add3A_148, %gather3A_152 : vector<16xi32>
    %add3A_154 = arith.constant 27 : i32
    %add3A_155 = vector.broadcast %add3A_154 : i32 to vector<16xi32>
    %add3A_156 = arith.addi %broadcast_in_dim3A_3, %add3A_155 : vector<16xi32>
    %gather3A_157 = tpu.vector_load_idx %arg11[%add3A_23, %add3A_156] : memref<64x32xi32, #tpu.memory_space<vmem>>[vector<16xi32>, vector<16xi32>], vector<16xi32>,
    %add3A_158 = arith.addi %add3A_153, %gather3A_157 : vector<16xi32>
    %add3A_159 = arith.constant 28 : i32
    %add3A_160 = vector.broadcast %add3A_159 : i32 to vector<16xi32>
    %add3A_161 = arith.addi %broadcast_in_dim3A_3, %add3A_160 : vector<16xi32>
    %gather3A_162 = tpu.vector_load_idx %arg11[%add3A_23, %add3A_161] : memref<64x32xi32, #tpu.memory_space<vmem>>[vector<16xi32>, vector<16xi32>], vector<16xi32>,
    %add3A_163 = arith.addi %add3A_158, %gather3A_162 : vector<16xi32>
    %add3A_164 = arith.constant 29 : i32
    %add3A_165 = vector.broadcast %add3A_164 : i32 to vector<16xi32>
    %add3A_166 = arith.addi %broadcast_in_dim3A_3, %add3A_165 : vector<16xi32>
    %gather3A_167 = tpu.vector_load_idx %arg11[%add3A_23, %add3A_166] : memref<64x32xi32, #tpu.memory_space<vmem>>[vector<16xi32>, vector<16xi32>], vector<16xi32>,
    %add3A_168 = arith.addi %add3A_163, %gather3A_167 : vector<16xi32>
    %add3A_169 = arith.constant 30 : i32
    %add3A_170 = vector.broadcast %add3A_169 : i32 to vector<16xi32>
    %add3A_171 = arith.addi %broadcast_in_dim3A_3, %add3A_170 : vector<16xi32>
    %gather3A_172 = tpu.vector_load_idx %arg11[%add3A_23, %add3A_171] : memref<64x32xi32, #tpu.memory_space<vmem>>[vector<16xi32>, vector<16xi32>], vector<16xi32>,
    %add3A_173 = arith.addi %add3A_168, %gather3A_172 : vector<16xi32>
    %add3A_174 = arith.constant 31 : i32
    %add3A_175 = vector.broadcast %add3A_174 : i32 to vector<16xi32>
    %add3A_176 = arith.addi %broadcast_in_dim3A_3, %add3A_175 : vector<16xi32>
    %gather3A_177 = tpu.vector_load_idx %arg11[%add3A_23, %add3A_176] : memref<64x32xi32, #tpu.memory_space<vmem>>[vector<16xi32>, vector<16xi32>], vector<16xi32>,
    %add3A_178 = arith.addi %add3A_173, %gather3A_177 : vector<16xi32>
    %swap3A = arith.constant 0 : index
    %swap3A_179 = tpu.vector_load %arg12[%swap3A] {strides = array<i32>} : memref<64xi32, #tpu.memory_space<vmem>>, vector<16xi32>,
    tpu.vector_store %arg12[%swap3A], %add3A_178 {strides = array<i32>} : memref<64xi32, #tpu.memory_space<vmem>>, vector<16xi32>,
    %add3A_180 = arith.constant 16 : i32
    %add3A_181 = vector.broadcast %add3A_180 : i32 to vector<16xi32>
    %add3A_182 = arith.addi %iota3A, %add3A_181 : vector<16xi32>
    %gather3A_183 = tpu.vector_load_idx %arg11[%add3A_182, %broadcast_in_dim3A_3] : memref<64x32xi32, #tpu.memory_space<vmem>>[vector<16xi32>, vector<16xi32>], vector<16xi32>,
    %add3A_184 = arith.constant 1 : i32
    %add3A_185 = vector.broadcast %add3A_184 : i32 to vector<16xi32>
    %add3A_186 = arith.addi %broadcast_in_dim3A_3, %add3A_185 : vector<16xi32>
    %gather3A_187 = tpu.vector_load_idx %arg11[%add3A_182, %add3A_186] : memref<64x32xi32, #tpu.memory_space<vmem>>[vector<16xi32>, vector<16xi32>], vector<16xi32>,
    %add3A_188 = arith.addi %gather3A_183, %gather3A_187 : vector<16xi32>
    %add3A_189 = arith.constant 2 : i32
    %add3A_190 = vector.broadcast %add3A_189 : i32 to vector<16xi32>
    %add3A_191 = arith.addi %broadcast_in_dim3A_3, %add3A_190 : vector<16xi32>
    %gather3A_192 = tpu.vector_load_idx %arg11[%add3A_182, %add3A_191] : memref<64x32xi32, #tpu.memory_space<vmem>>[vector<16xi32>, vector<16xi32>], vector<16xi32>,
    %add3A_193 = arith.addi %add3A_188, %gather3A_192 : vector<16xi32>
    %add3A_194 = arith.constant 3 : i32
    %add3A_195 = vector.broadcast %add3A_194 : i32 to vector<16xi32>
    %add3A_196 = arith.addi %broadcast_in_dim3A_3, %add3A_195 : vector<16xi32>
    %gather3A_197 = tpu.vector_load_idx %arg11[%add3A_182, %add3A_196] : memref<64x32xi32, #tpu.memory_space<vmem>>[vector<16xi32>, vector<16xi32>], vector<16xi32>,
    %add3A_198 = arith.addi %add3A_193, %gather3A_197 : vector<16xi32>
    %add3A_199 = arith.constant 4 : i32
    %add3A_200 = vector.broadcast %add3A_199 : i32 to vector<16xi32>
    %add3A_201 = arith.addi %broadcast_in_dim3A_3, %add3A_200 : vector<16xi32>
    %gather3A_202 = tpu.vector_load_idx %arg11[%add3A_182, %add3A_201] : memref<64x32xi32, #tpu.memory_space<vmem>>[vector<16xi32>, vector<16xi32>], vector<16xi32>,
    %add3A_203 = arith.addi %add3A_198, %gather3A_202 : vector<16xi32>
    %add3A_204 = arith.constant 5 : i32
    %add3A_205 = vector.broadcast %add3A_204 : i32 to vector<16xi32>
    %add3A_206 = arith.addi %broadcast_in_dim3A_3, %add3A_205 : vector<16xi32>
    %gather3A_207 = tpu.vector_load_idx %arg11[%add3A_182, %add3A_206] : memref<64x32xi32, #tpu.memory_space<vmem>>[vector<16xi32>, vector<16xi32>], vector<16xi32>,
    %add3A_208 = arith.addi %add3A_203, %gather3A_207 : vector<16xi32>
    %add3A_209 = arith.constant 6 : i32
    %add3A_210 = vector.broadcast %add3A_209 : i32 to vector<16xi32>
    %add3A_211 = arith.addi %broadcast_in_dim3A_3, %add3A_210 : vector<16xi32>
    %gather3A_212 = tpu.vector_load_idx %arg11[%add3A_182, %add3A_211] : memref<64x32xi32, #tpu.memory_space<vmem>>[vector<16xi32>, vector<16xi32>], vector<16xi32>,
    %add3A_213 = arith.addi %add3A_208, %gather3A_212 : vector<16xi32>
    %add3A_214 = arith.constant 7 : i32
    %add3A_215 = vector.broadcast %add3A_214 : i32 to vector<16xi32>
    %add3A_216 = arith.addi %broadcast_in_dim3A_3, %add3A_215 : vector<16xi32>
    %gather3A_217 = tpu.vector_load_idx %arg11[%add3A_182, %add3A_216] : memref<64x32xi32, #tpu.memory_space<vmem>>[vector<16xi32>, vector<16xi32>], vector<16xi32>,
    %add3A_218 = arith.addi %add3A_213, %gather3A_217 : vector<16xi32>
    %add3A_219 = arith.constant 8 : i32
    %add3A_220 = vector.broadcast %add3A_219 : i32 to vector<16xi32>
    %add3A_221 = arith.addi %broadcast_in_dim3A_3, %add3A_220 : vector<16xi32>
    %gather3A_222 = tpu.vector_load_idx %arg11[%add3A_182, %add3A_221] : memref<64x32xi32, #tpu.memory_space<vmem>>[vector<16xi32>, vector<16xi32>], vector<16xi32>,
    %add3A_223 = arith.addi %add3A_218, %gather3A_222 : vector<16xi32>
    %add3A_224 = arith.constant 9 : i32
    %add3A_225 = vector.broadcast %add3A_224 : i32 to vector<16xi32>
    %add3A_226 = arith.addi %broadcast_in_dim3A_3, %add3A_225 : vector<16xi32>
    %gather3A_227 = tpu.vector_load_idx %arg11[%add3A_182, %add3A_226] : memref<64x32xi32, #tpu.memory_space<vmem>>[vector<16xi32>, vector<16xi32>], vector<16xi32>,
    %add3A_228 = arith.addi %add3A_223, %gather3A_227 : vector<16xi32>
    %add3A_229 = arith.constant 10 : i32
    %add3A_230 = vector.broadcast %add3A_229 : i32 to vector<16xi32>
    %add3A_231 = arith.addi %broadcast_in_dim3A_3, %add3A_230 : vector<16xi32>
    %gather3A_232 = tpu.vector_load_idx %arg11[%add3A_182, %add3A_231] : memref<64x32xi32, #tpu.memory_space<vmem>>[vector<16xi32>, vector<16xi32>], vector<16xi32>,
    %add3A_233 = arith.addi %add3A_228, %gather3A_232 : vector<16xi32>
    %add3A_234 = arith.constant 11 : i32
    %add3A_235 = vector.broadcast %add3A_234 : i32 to vector<16xi32>
    %add3A_236 = arith.addi %broadcast_in_dim3A_3, %add3A_235 : vector<16xi32>
    %gather3A_237 = tpu.vector_load_idx %arg11[%add3A_182, %add3A_236] : memref<64x32xi32, #tpu.memory_space<vmem>>[vector<16xi32>, vector<16xi32>], vector<16xi32>,
    %add3A_238 = arith.addi %add3A_233, %gather3A_237 : vector<16xi32>
    %add3A_239 = arith.constant 12 : i32
    %add3A_240 = vector.broadcast %add3A_239 : i32 to vector<16xi32>
    %add3A_241 = arith.addi %broadcast_in_dim3A_3, %add3A_240 : vector<16xi32>
    %gather3A_242 = tpu.vector_load_idx %arg11[%add3A_182, %add3A_241] : memref<64x32xi32, #tpu.memory_space<vmem>>[vector<16xi32>, vector<16xi32>], vector<16xi32>,
    %add3A_243 = arith.addi %add3A_238, %gather3A_242 : vector<16xi32>
    %add3A_244 = arith.constant 13 : i32
    %add3A_245 = vector.broadcast %add3A_244 : i32 to vector<16xi32>
    %add3A_246 = arith.addi %broadcast_in_dim3A_3, %add3A_245 : vector<16xi32>
    %gather3A_247 = tpu.vector_load_idx %arg11[%add3A_182, %add3A_246] : memref<64x32xi32, #tpu.memory_space<vmem>>[vector<16xi32>, vector<16xi32>], vector<16xi32>,
    %add3A_248 = arith.addi %add3A_243, %gather3A_247 : vector<16xi32>
    %add3A_249 = arith.constant 14 : i32
    %add3A_250 = vector.broadcast %add3A_249 : i32 to vector<16xi32>
    %add3A_251 = arith.addi %broadcast_in_dim3A_3, %add3A_250 : vector<16xi32>
    %gather3A_252 = tpu.vector_load_idx %arg11[%add3A_182, %add3A_251] : memref<64x32xi32, #tpu.memory_space<vmem>>[vector<16xi32>, vector<16xi32>], vector<16xi32>,
    %add3A_253 = arith.addi %add3A_248, %gather3A_252 : vector<16xi32>
    %add3A_254 = arith.constant 15 : i32
    %add3A_255 = vector.broadcast %add3A_254 : i32 to vector<16xi32>
    %add3A_256 = arith.addi %broadcast_in_dim3A_3, %add3A_255 : vector<16xi32>
    %gather3A_257 = tpu.vector_load_idx %arg11[%add3A_182, %add3A_256] : memref<64x32xi32, #tpu.memory_space<vmem>>[vector<16xi32>, vector<16xi32>], vector<16xi32>,
    %add3A_258 = arith.addi %add3A_253, %gather3A_257 : vector<16xi32>
    %add3A_259 = arith.constant 16 : i32
    %add3A_260 = vector.broadcast %add3A_259 : i32 to vector<16xi32>
    %add3A_261 = arith.addi %broadcast_in_dim3A_3, %add3A_260 : vector<16xi32>
    %gather3A_262 = tpu.vector_load_idx %arg11[%add3A_182, %add3A_261] : memref<64x32xi32, #tpu.memory_space<vmem>>[vector<16xi32>, vector<16xi32>], vector<16xi32>,
    %add3A_263 = arith.addi %add3A_258, %gather3A_262 : vector<16xi32>
    %add3A_264 = arith.constant 17 : i32
    %add3A_265 = vector.broadcast %add3A_264 : i32 to vector<16xi32>
    %add3A_266 = arith.addi %broadcast_in_dim3A_3, %add3A_265 : vector<16xi32>
    %gather3A_267 = tpu.vector_load_idx %arg11[%add3A_182, %add3A_266] : memref<64x32xi32, #tpu.memory_space<vmem>>[vector<16xi32>, vector<16xi32>], vector<16xi32>,
    %add3A_268 = arith.addi %add3A_263, %gather3A_267 : vector<16xi32>
    %add3A_269 = arith.constant 18 : i32
    %add3A_270 = vector.broadcast %add3A_269 : i32 to vector<16xi32>
    %add3A_271 = arith.addi %broadcast_in_dim3A_3, %add3A_270 : vector<16xi32>
    %gather3A_272 = tpu.vector_load_idx %arg11[%add3A_182, %add3A_271] : memref<64x32xi32, #tpu.memory_space<vmem>>[vector<16xi32>, vector<16xi32>], vector<16xi32>,
    %add3A_273 = arith.addi %add3A_268, %gather3A_272 : vector<16xi32>
    %add3A_274 = arith.constant 19 : i32
    %add3A_275 = vector.broadcast %add3A_274 : i32 to vector<16xi32>
    %add3A_276 = arith.addi %broadcast_in_dim3A_3, %add3A_275 : vector<16xi32>
    %gather3A_277 = tpu.vector_load_idx %arg11[%add3A_182, %add3A_276] : memref<64x32xi32, #tpu.memory_space<vmem>>[vector<16xi32>, vector<16xi32>], vector<16xi32>,
    %add3A_278 = arith.addi %add3A_273, %gather3A_277 : vector<16xi32>
    %add3A_279 = arith.constant 20 : i32
    %add3A_280 = vector.broadcast %add3A_279 : i32 to vector<16xi32>
    %add3A_281 = arith.addi %broadcast_in_dim3A_3, %add3A_280 : vector<16xi32>
    %gather3A_282 = tpu.vector_load_idx %arg11[%add3A_182, %add3A_281] : memref<64x32xi32, #tpu.memory_space<vmem>>[vector<16xi32>, vector<16xi32>], vector<16xi32>,
    %add3A_283 = arith.addi %add3A_278, %gather3A_282 : vector<16xi32>
    %add3A_284 = arith.constant 21 : i32
    %add3A_285 = vector.broadcast %add3A_284 : i32 to vector<16xi32>
    %add3A_286 = arith.addi %broadcast_in_dim3A_3, %add3A_285 : vector<16xi32>
    %gather3A_287 = tpu.vector_load_idx %arg11[%add3A_182, %add3A_286] : memref<64x32xi32, #tpu.memory_space<vmem>>[vector<16xi32>, vector<16xi32>], vector<16xi32>,
    %add3A_288 = arith.addi %add3A_283, %gather3A_287 : vector<16xi32>
    %add3A_289 = arith.constant 22 : i32
    %add3A_290 = vector.broadcast %add3A_289 : i32 to vector<16xi32>
    %add3A_291 = arith.addi %broadcast_in_dim3A_3, %add3A_290 : vector<16xi32>
    %gather3A_292 = tpu.vector_load_idx %arg11[%add3A_182, %add3A_291] : memref<64x32xi32, #tpu.memory_space<vmem>>[vector<16xi32>, vector<16xi32>], vector<16xi32>,
    %add3A_293 = arith.addi %add3A_288, %gather3A_292 : vector<16xi32>
    %add3A_294 = arith.constant 23 : i32
    %add3A_295 = vector.broadcast %add3A_294 : i32 to vector<16xi32>
    %add3A_296 = arith.addi %broadcast_in_dim3A_3, %add3A_295 : vector<16xi32>
    %gather3A_297 = tpu.vector_load_idx %arg11[%add3A_182, %add3A_296] : memref<64x32xi32, #tpu.memory_space<vmem>>[vector<16xi32>, vector<16xi32>], vector<16xi32>,
    %add3A_298 = arith.addi %add3A_293, %gather3A_297 : vector<16xi32>
    %add3A_299 = arith.constant 24 : i32
    %add3A_300 = vector.broadcast %add3A_299 : i32 to vector<16xi32>
    %add3A_301 = arith.addi %broadcast_in_dim3A_3, %add3A_300 : vector<16xi32>
    %gather3A_302 = tpu.vector_load_idx %arg11[%add3A_182, %add3A_301] : memref<64x32xi32, #tpu.memory_space<vmem>>[vector<16xi32>, vector<16xi32>], vector<16xi32>,
    %add3A_303 = arith.addi %add3A_298, %gather3A_302 : vector<16xi32>
    %add3A_304 = arith.constant 25 : i32
    %add3A_305 = vector.broadcast %add3A_304 : i32 to vector<16xi32>
    %add3A_306 = arith.addi %broadcast_in_dim3A_3, %add3A_305 : vector<16xi32>
    %gather3A_307 = tpu.vector_load_idx %arg11[%add3A_182, %add3A_306] : memref<64x32xi32, #tpu.memory_space<vmem>>[vector<16xi32>, vector<16xi32>], vector<16xi32>,
    %add3A_308 = arith.addi %add3A_303, %gather3A_307 : vector<16xi32>
    %add3A_309 = arith.constant 26 : i32
    %add3A_310 = vector.broadcast %add3A_309 : i32 to vector<16xi32>
    %add3A_311 = arith.addi %broadcast_in_dim3A_3, %add3A_310 : vector<16xi32>
    %gather3A_312 = tpu.vector_load_idx %arg11[%add3A_182, %add3A_311] : memref<64x32xi32, #tpu.memory_space<vmem>>[vector<16xi32>, vector<16xi32>], vector<16xi32>,
    %add3A_313 = arith.addi %add3A_308, %gather3A_312 : vector<16xi32>
    %add3A_314 = arith.constant 27 : i32
    %add3A_315 = vector.broadcast %add3A_314 : i32 to vector<16xi32>
    %add3A_316 = arith.addi %broadcast_in_dim3A_3, %add3A_315 : vector<16xi32>
    %gather3A_317 = tpu.vector_load_idx %arg11[%add3A_182, %add3A_316] : memref<64x32xi32, #tpu.memory_space<vmem>>[vector<16xi32>, vector<16xi32>], vector<16xi32>,
    %add3A_318 = arith.addi %add3A_313, %gather3A_317 : vector<16xi32>
    %add3A_319 = arith.constant 28 : i32
    %add3A_320 = vector.broadcast %add3A_319 : i32 to vector<16xi32>
    %add3A_321 = arith.addi %broadcast_in_dim3A_3, %add3A_320 : vector<16xi32>
    %gather3A_322 = tpu.vector_load_idx %arg11[%add3A_182, %add3A_321] : memref<64x32xi32, #tpu.memory_space<vmem>>[vector<16xi32>, vector<16xi32>], vector<16xi32>,
    %add3A_323 = arith.addi %add3A_318, %gather3A_322 : vector<16xi32>
    %add3A_324 = arith.constant 29 : i32
    %add3A_325 = vector.broadcast %add3A_324 : i32 to vector<16xi32>
    %add3A_326 = arith.addi %broadcast_in_dim3A_3, %add3A_325 : vector<16xi32>
    %gather3A_327 = tpu.vector_load_idx %arg11[%add3A_182, %add3A_326] : memref<64x32xi32, #tpu.memory_space<vmem>>[vector<16xi32>, vector<16xi32>], vector<16xi32>,
    %add3A_328 = arith.addi %add3A_323, %gather3A_327 : vector<16xi32>
    %add3A_329 = arith.constant 30 : i32
    %add3A_330 = vector.broadcast %add3A_329 : i32 to vector<16xi32>
    %add3A_331 = arith.addi %broadcast_in_dim3A_3, %add3A_330 : vector<16xi32>
    %gather3A_332 = tpu.vector_load_idx %arg11[%add3A_182, %add3A_331] : memref<64x32xi32, #tpu.memory_space<vmem>>[vector<16xi32>, vector<16xi32>], vector<16xi32>,
    %add3A_333 = arith.addi %add3A_328, %gather3A_332 : vector<16xi32>
    %add3A_334 = arith.constant 31 : i32
    %add3A_335 = vector.broadcast %add3A_334 : i32 to vector<16xi32>
    %add3A_336 = arith.addi %broadcast_in_dim3A_3, %add3A_335 : vector<16xi32>
    %gather3A_337 = tpu.vector_load_idx %arg11[%add3A_182, %add3A_336] : memref<64x32xi32, #tpu.memory_space<vmem>>[vector<16xi32>, vector<16xi32>], vector<16xi32>,
    %add3A_338 = arith.addi %add3A_333, %gather3A_337 : vector<16xi32>
    %swap3A_339 = arith.constant 16 : index
    %swap3A_340 = tpu.vector_load %arg12[%swap3A_339] {strides = array<i32>} : memref<64xi32, #tpu.memory_space<vmem>>, vector<16xi32>,
    tpu.vector_store %arg12[%swap3A_339], %add3A_338 {strides = array<i32>} : memref<64xi32, #tpu.memory_space<vmem>>, vector<16xi32>,
    %add3A_341 = arith.constant 32 : i32
    %add3A_342 = vector.broadcast %add3A_341 : i32 to vector<16xi32>
    %add3A_343 = arith.addi %iota3A, %add3A_342 : vector<16xi32>
    %gather3A_344 = tpu.vector_load_idx %arg11[%add3A_343, %broadcast_in_dim3A_3] : memref<64x32xi32, #tpu.memory_space<vmem>>[vector<16xi32>, vector<16xi32>], vector<16xi32>,
    %add3A_345 = arith.constant 1 : i32
    %add3A_346 = vector.broadcast %add3A_345 : i32 to vector<16xi32>
    %add3A_347 = arith.addi %broadcast_in_dim3A_3, %add3A_346 : vector<16xi32>
    %gather3A_348 = tpu.vector_load_idx %arg11[%add3A_343, %add3A_347] : memref<64x32xi32, #tpu.memory_space<vmem>>[vector<16xi32>, vector<16xi32>], vector<16xi32>,
    %add3A_349 = arith.addi %gather3A_344, %gather3A_348 : vector<16xi32>
    %add3A_350 = arith.constant 2 : i32
    %add3A_351 = vector.broadcast %add3A_350 : i32 to vector<16xi32>
    %add3A_352 = arith.addi %broadcast_in_dim3A_3, %add3A_351 : vector<16xi32>
    %gather3A_353 = tpu.vector_load_idx %arg11[%add3A_343, %add3A_352] : memref<64x32xi32, #tpu.memory_space<vmem>>[vector<16xi32>, vector<16xi32>], vector<16xi32>,
    %add3A_354 = arith.addi %add3A_349, %gather3A_353 : vector<16xi32>
    %add3A_355 = arith.constant 3 : i32
    %add3A_356 = vector.broadcast %add3A_355 : i32 to vector<16xi32>
    %add3A_357 = arith.addi %broadcast_in_dim3A_3, %add3A_356 : vector<16xi32>
    %gather3A_358 = tpu.vector_load_idx %arg11[%add3A_343, %add3A_357] : memref<64x32xi32, #tpu.memory_space<vmem>>[vector<16xi32>, vector<16xi32>], vector<16xi32>,
    %add3A_359 = arith.addi %add3A_354, %gather3A_358 : vector<16xi32>
    %add3A_360 = arith.constant 4 : i32
    %add3A_361 = vector.broadcast %add3A_360 : i32 to vector<16xi32>
    %add3A_362 = arith.addi %broadcast_in_dim3A_3, %add3A_361 : vector<16xi32>
    %gather3A_363 = tpu.vector_load_idx %arg11[%add3A_343, %add3A_362] : memref<64x32xi32, #tpu.memory_space<vmem>>[vector<16xi32>, vector<16xi32>], vector<16xi32>,
    %add3A_364 = arith.addi %add3A_359, %gather3A_363 : vector<16xi32>
    %add3A_365 = arith.constant 5 : i32
    %add3A_366 = vector.broadcast %add3A_365 : i32 to vector<16xi32>
    %add3A_367 = arith.addi %broadcast_in_dim3A_3, %add3A_366 : vector<16xi32>
    %gather3A_368 = tpu.vector_load_idx %arg11[%add3A_343, %add3A_367] : memref<64x32xi32, #tpu.memory_space<vmem>>[vector<16xi32>, vector<16xi32>], vector<16xi32>,
    %add3A_369 = arith.addi %add3A_364, %gather3A_368 : vector<16xi32>
    %add3A_370 = arith.constant 6 : i32
    %add3A_371 = vector.broadcast %add3A_370 : i32 to vector<16xi32>
    %add3A_372 = arith.addi %broadcast_in_dim3A_3, %add3A_371 : vector<16xi32>
    %gather3A_373 = tpu.vector_load_idx %arg11[%add3A_343, %add3A_372] : memref<64x32xi32, #tpu.memory_space<vmem>>[vector<16xi32>, vector<16xi32>], vector<16xi32>,
    %add3A_374 = arith.addi %add3A_369, %gather3A_373 : vector<16xi32>
    %add3A_375 = arith.constant 7 : i32
    %add3A_376 = vector.broadcast %add3A_375 : i32 to vector<16xi32>
    %add3A_377 = arith.addi %broadcast_in_dim3A_3, %add3A_376 : vector<16xi32>
    %gather3A_378 = tpu.vector_load_idx %arg11[%add3A_343, %add3A_377] : memref<64x32xi32, #tpu.memory_space<vmem>>[vector<16xi32>, vector<16xi32>], vector<16xi32>,
    %add3A_379 = arith.addi %add3A_374, %gather3A_378 : vector<16xi32>
    %add3A_380 = arith.constant 8 : i32
    %add3A_381 = vector.broadcast %add3A_380 : i32 to vector<16xi32>
    %add3A_382 = arith.addi %broadcast_in_dim3A_3, %add3A_381 : vector<16xi32>
    %gather3A_383 = tpu.vector_load_idx %arg11[%add3A_343, %add3A_382] : memref<64x32xi32, #tpu.memory_space<vmem>>[vector<16xi32>, vector<16xi32>], vector<16xi32>,
    %add3A_384 = arith.addi %add3A_379, %gather3A_383 : vector<16xi32>
    %add3A_385 = arith.constant 9 : i32
    %add3A_386 = vector.broadcast %add3A_385 : i32 to vector<16xi32>
    %add3A_387 = arith.addi %broadcast_in_dim3A_3, %add3A_386 : vector<16xi32>
    %gather3A_388 = tpu.vector_load_idx %arg11[%add3A_343, %add3A_387] : memref<64x32xi32, #tpu.memory_space<vmem>>[vector<16xi32>, vector<16xi32>], vector<16xi32>,
    %add3A_389 = arith.addi %add3A_384, %gather3A_388 : vector<16xi32>
    %add3A_390 = arith.constant 10 : i32
    %add3A_391 = vector.broadcast %add3A_390 : i32 to vector<16xi32>
    %add3A_392 = arith.addi %broadcast_in_dim3A_3, %add3A_391 : vector<16xi32>
    %gather3A_393 = tpu.vector_load_idx %arg11[%add3A_343, %add3A_392] : memref<64x32xi32, #tpu.memory_space<vmem>>[vector<16xi32>, vector<16xi32>], vector<16xi32>,
    %add3A_394 = arith.addi %add3A_389, %gather3A_393 : vector<16xi32>
    %add3A_395 = arith.constant 11 : i32
    %add3A_396 = vector.broadcast %add3A_395 : i32 to vector<16xi32>
    %add3A_397 = arith.addi %broadcast_in_dim3A_3, %add3A_396 : vector<16xi32>
    %gather3A_398 = tpu.vector_load_idx %arg11[%add3A_343, %add3A_397] : memref<64x32xi32, #tpu.memory_space<vmem>>[vector<16xi32>, vector<16xi32>], vector<16xi32>,
    %add3A_399 = arith.addi %add3A_394, %gather3A_398 : vector<16xi32>
    %add3A_400 = arith.constant 12 : i32
    %add3A_401 = vector.broadcast %add3A_400 : i32 to vector<16xi32>
    %add3A_402 = arith.addi %broadcast_in_dim3A_3, %add3A_401 : vector<16xi32>
    %gather3A_403 = tpu.vector_load_idx %arg11[%add3A_343, %add3A_402] : memref<64x32xi32, #tpu.memory_space<vmem>>[vector<16xi32>, vector<16xi32>], vector<16xi32>,
    %add3A_404 = arith.addi %add3A_399, %gather3A_403 : vector<16xi32>
    %add3A_405 = arith.constant 13 : i32
    %add3A_406 = vector.broadcast %add3A_405 : i32 to vector<16xi32>
    %add3A_407 = arith.addi %broadcast_in_dim3A_3, %add3A_406 : vector<16xi32>
    %gather3A_408 = tpu.vector_load_idx %arg11[%add3A_343, %add3A_407] : memref<64x32xi32, #tpu.memory_space<vmem>>[vector<16xi32>, vector<16xi32>], vector<16xi32>,
    %add3A_409 = arith.addi %add3A_404, %gather3A_408 : vector<16xi32>
    %add3A_410 = arith.constant 14 : i32
    %add3A_411 = vector.broadcast %add3A_410 : i32 to vector<16xi32>
    %add3A_412 = arith.addi %broadcast_in_dim3A_3, %add3A_411 : vector<16xi32>
    %gather3A_413 = tpu.vector_load_idx %arg11[%add3A_343, %add3A_412] : memref<64x32xi32, #tpu.memory_space<vmem>>[vector<16xi32>, vector<16xi32>], vector<16xi32>,
    %add3A_414 = arith.addi %add3A_409, %gather3A_413 : vector<16xi32>
    %add3A_415 = arith.constant 15 : i32
    %add3A_416 = vector.broadcast %add3A_415 : i32 to vector<16xi32>
    %add3A_417 = arith.addi %broadcast_in_dim3A_3, %add3A_416 : vector<16xi32>
    %gather3A_418 = tpu.vector_load_idx %arg11[%add3A_343, %add3A_417] : memref<64x32xi32, #tpu.memory_space<vmem>>[vector<16xi32>, vector<16xi32>], vector<16xi32>,
    %add3A_419 = arith.addi %add3A_414, %gather3A_418 : vector<16xi32>
    %add3A_420 = arith.constant 16 : i32
    %add3A_421 = vector.broadcast %add3A_420 : i32 to vector<16xi32>
    %add3A_422 = arith.addi %broadcast_in_dim3A_3, %add3A_421 : vector<16xi32>
    %gather3A_423 = tpu.vector_load_idx %arg11[%add3A_343, %add3A_422] : memref<64x32xi32, #tpu.memory_space<vmem>>[vector<16xi32>, vector<16xi32>], vector<16xi32>,
    %add3A_424 = arith.addi %add3A_419, %gather3A_423 : vector<16xi32>
    %add3A_425 = arith.constant 17 : i32
    %add3A_426 = vector.broadcast %add3A_425 : i32 to vector<16xi32>
    %add3A_427 = arith.addi %broadcast_in_dim3A_3, %add3A_426 : vector<16xi32>
    %gather3A_428 = tpu.vector_load_idx %arg11[%add3A_343, %add3A_427] : memref<64x32xi32, #tpu.memory_space<vmem>>[vector<16xi32>, vector<16xi32>], vector<16xi32>,
    %add3A_429 = arith.addi %add3A_424, %gather3A_428 : vector<16xi32>
    %add3A_430 = arith.constant 18 : i32
    %add3A_431 = vector.broadcast %add3A_430 : i32 to vector<16xi32>
    %add3A_432 = arith.addi %broadcast_in_dim3A_3, %add3A_431 : vector<16xi32>
    %gather3A_433 = tpu.vector_load_idx %arg11[%add3A_343, %add3A_432] : memref<64x32xi32, #tpu.memory_space<vmem>>[vector<16xi32>, vector<16xi32>], vector<16xi32>,
    %add3A_434 = arith.addi %add3A_429, %gather3A_433 : vector<16xi32>
    %add3A_435 = arith.constant 19 : i32
    %add3A_436 = vector.broadcast %add3A_435 : i32 to vector<16xi32>
    %add3A_437 = arith.addi %broadcast_in_dim3A_3, %add3A_436 : vector<16xi32>
    %gather3A_438 = tpu.vector_load_idx %arg11[%add3A_343, %add3A_437] : memref<64x32xi32, #tpu.memory_space<vmem>>[vector<16xi32>, vector<16xi32>], vector<16xi32>,
    %add3A_439 = arith.addi %add3A_434, %gather3A_438 : vector<16xi32>
    %add3A_440 = arith.constant 20 : i32
    %add3A_441 = vector.broadcast %add3A_440 : i32 to vector<16xi32>
    %add3A_442 = arith.addi %broadcast_in_dim3A_3, %add3A_441 : vector<16xi32>
    %gather3A_443 = tpu.vector_load_idx %arg11[%add3A_343, %add3A_442] : memref<64x32xi32, #tpu.memory_space<vmem>>[vector<16xi32>, vector<16xi32>], vector<16xi32>,
    %add3A_444 = arith.addi %add3A_439, %gather3A_443 : vector<16xi32>
    %add3A_445 = arith.constant 21 : i32
    %add3A_446 = vector.broadcast %add3A_445 : i32 to vector<16xi32>
    %add3A_447 = arith.addi %broadcast_in_dim3A_3, %add3A_446 : vector<16xi32>
    %gather3A_448 = tpu.vector_load_idx %arg11[%add3A_343, %add3A_447] : memref<64x32xi32, #tpu.memory_space<vmem>>[vector<16xi32>, vector<16xi32>], vector<16xi32>,
    %add3A_449 = arith.addi %add3A_444, %gather3A_448 : vector<16xi32>
    %add3A_450 = arith.constant 22 : i32
    %add3A_451 = vector.broadcast %add3A_450 : i32 to vector<16xi32>
    %add3A_452 = arith.addi %broadcast_in_dim3A_3, %add3A_451 : vector<16xi32>
    %gather3A_453 = tpu.vector_load_idx %arg11[%add3A_343, %add3A_452] : memref<64x32xi32, #tpu.memory_space<vmem>>[vector<16xi32>, vector<16xi32>], vector<16xi32>,
    %add3A_454 = arith.addi %add3A_449, %gather3A_453 : vector<16xi32>
    %add3A_455 = arith.constant 23 : i32
    %add3A_456 = vector.broadcast %add3A_455 : i32 to vector<16xi32>
    %add3A_457 = arith.addi %broadcast_in_dim3A_3, %add3A_456 : vector<16xi32>
    %gather3A_458 = tpu.vector_load_idx %arg11[%add3A_343, %add3A_457] : memref<64x32xi32, #tpu.memory_space<vmem>>[vector<16xi32>, vector<16xi32>], vector<16xi32>,
    %add3A_459 = arith.addi %add3A_454, %gather3A_458 : vector<16xi32>
    %add3A_460 = arith.constant 24 : i32
    %add3A_461 = vector.broadcast %add3A_460 : i32 to vector<16xi32>
    %add3A_462 = arith.addi %broadcast_in_dim3A_3, %add3A_461 : vector<16xi32>
    %gather3A_463 = tpu.vector_load_idx %arg11[%add3A_343, %add3A_462] : memref<64x32xi32, #tpu.memory_space<vmem>>[vector<16xi32>, vector<16xi32>], vector<16xi32>,
    %add3A_464 = arith.addi %add3A_459, %gather3A_463 : vector<16xi32>
    %add3A_465 = arith.constant 25 : i32
    %add3A_466 = vector.broadcast %add3A_465 : i32 to vector<16xi32>
    %add3A_467 = arith.addi %broadcast_in_dim3A_3, %add3A_466 : vector<16xi32>
    %gather3A_468 = tpu.vector_load_idx %arg11[%add3A_343, %add3A_467] : memref<64x32xi32, #tpu.memory_space<vmem>>[vector<16xi32>, vector<16xi32>], vector<16xi32>,
    %add3A_469 = arith.addi %add3A_464, %gather3A_468 : vector<16xi32>
    %add3A_470 = arith.constant 26 : i32
    %add3A_471 = vector.broadcast %add3A_470 : i32 to vector<16xi32>
    %add3A_472 = arith.addi %broadcast_in_dim3A_3, %add3A_471 : vector<16xi32>
    %gather3A_473 = tpu.vector_load_idx %arg11[%add3A_343, %add3A_472] : memref<64x32xi32, #tpu.memory_space<vmem>>[vector<16xi32>, vector<16xi32>], vector<16xi32>,
    %add3A_474 = arith.addi %add3A_469, %gather3A_473 : vector<16xi32>
    %add3A_475 = arith.constant 27 : i32
    %add3A_476 = vector.broadcast %add3A_475 : i32 to vector<16xi32>
    %add3A_477 = arith.addi %broadcast_in_dim3A_3, %add3A_476 : vector<16xi32>
    %gather3A_478 = tpu.vector_load_idx %arg11[%add3A_343, %add3A_477] : memref<64x32xi32, #tpu.memory_space<vmem>>[vector<16xi32>, vector<16xi32>], vector<16xi32>,
    %add3A_479 = arith.addi %add3A_474, %gather3A_478 : vector<16xi32>
    %add3A_480 = arith.constant 28 : i32
    %add3A_481 = vector.broadcast %add3A_480 : i32 to vector<16xi32>
    %add3A_482 = arith.addi %broadcast_in_dim3A_3, %add3A_481 : vector<16xi32>
    %gather3A_483 = tpu.vector_load_idx %arg11[%add3A_343, %add3A_482] : memref<64x32xi32, #tpu.memory_space<vmem>>[vector<16xi32>, vector<16xi32>], vector<16xi32>,
    %add3A_484 = arith.addi %add3A_479, %gather3A_483 : vector<16xi32>
    %add3A_485 = arith.constant 29 : i32
    %add3A_486 = vector.broadcast %add3A_485 : i32 to vector<16xi32>
    %add3A_487 = arith.addi %broadcast_in_dim3A_3, %add3A_486 : vector<16xi32>
    %gather3A_488 = tpu.vector_load_idx %arg11[%add3A_343, %add3A_487] : memref<64x32xi32, #tpu.memory_space<vmem>>[vector<16xi32>, vector<16xi32>], vector<16xi32>,
    %add3A_489 = arith.addi %add3A_484, %gather3A_488 : vector<16xi32>
    %add3A_490 = arith.constant 30 : i32
    %add3A_491 = vector.broadcast %add3A_490 : i32 to vector<16xi32>
    %add3A_492 = arith.addi %broadcast_in_dim3A_3, %add3A_491 : vector<16xi32>
    %gather3A_493 = tpu.vector_load_idx %arg11[%add3A_343, %add3A_492] : memref<64x32xi32, #tpu.memory_space<vmem>>[vector<16xi32>, vector<16xi32>], vector<16xi32>,
    %add3A_494 = arith.addi %add3A_489, %gather3A_493 : vector<16xi32>
    %add3A_495 = arith.constant 31 : i32
    %add3A_496 = vector.broadcast %add3A_495 : i32 to vector<16xi32>
    %add3A_497 = arith.addi %broadcast_in_dim3A_3, %add3A_496 : vector<16xi32>
    %gather3A_498 = tpu.vector_load_idx %arg11[%add3A_343, %add3A_497] : memref<64x32xi32, #tpu.memory_space<vmem>>[vector<16xi32>, vector<16xi32>], vector<16xi32>,
    %add3A_499 = arith.addi %add3A_494, %gather3A_498 : vector<16xi32>
    %swap3A_500 = arith.constant 32 : index
    %swap3A_501 = tpu.vector_load %arg12[%swap3A_500] {strides = array<i32>} : memref<64xi32, #tpu.memory_space<vmem>>, vector<16xi32>,
    tpu.vector_store %arg12[%swap3A_500], %add3A_499 {strides = array<i32>} : memref<64xi32, #tpu.memory_space<vmem>>, vector<16xi32>,
    %add3A_502 = arith.constant 48 : i32
    %add3A_503 = vector.broadcast %add3A_502 : i32 to vector<16xi32>
    %add3A_504 = arith.addi %iota3A, %add3A_503 : vector<16xi32>
    %gather3A_505 = tpu.vector_load_idx %arg11[%add3A_504, %broadcast_in_dim3A_3] : memref<64x32xi32, #tpu.memory_space<vmem>>[vector<16xi32>, vector<16xi32>], vector<16xi32>,
    %add3A_506 = arith.constant 1 : i32
    %add3A_507 = vector.broadcast %add3A_506 : i32 to vector<16xi32>
    %add3A_508 = arith.addi %broadcast_in_dim3A_3, %add3A_507 : vector<16xi32>
    %gather3A_509 = tpu.vector_load_idx %arg11[%add3A_504, %add3A_508] : memref<64x32xi32, #tpu.memory_space<vmem>>[vector<16xi32>, vector<16xi32>], vector<16xi32>,
    %add3A_510 = arith.addi %gather3A_505, %gather3A_509 : vector<16xi32>
    %add3A_511 = arith.constant 2 : i32
    %add3A_512 = vector.broadcast %add3A_511 : i32 to vector<16xi32>
    %add3A_513 = arith.addi %broadcast_in_dim3A_3, %add3A_512 : vector<16xi32>
    %gather3A_514 = tpu.vector_load_idx %arg11[%add3A_504, %add3A_513] : memref<64x32xi32, #tpu.memory_space<vmem>>[vector<16xi32>, vector<16xi32>], vector<16xi32>,
    %add3A_515 = arith.addi %add3A_510, %gather3A_514 : vector<16xi32>
    %add3A_516 = arith.constant 3 : i32
    %add3A_517 = vector.broadcast %add3A_516 : i32 to vector<16xi32>
    %add3A_518 = arith.addi %broadcast_in_dim3A_3, %add3A_517 : vector<16xi32>
    %gather3A_519 = tpu.vector_load_idx %arg11[%add3A_504, %add3A_518] : memref<64x32xi32, #tpu.memory_space<vmem>>[vector<16xi32>, vector<16xi32>], vector<16xi32>,
    %add3A_520 = arith.addi %add3A_515, %gather3A_519 : vector<16xi32>
    %add3A_521 = arith.constant 4 : i32
    %add3A_522 = vector.broadcast %add3A_521 : i32 to vector<16xi32>
    %add3A_523 = arith.addi %broadcast_in_dim3A_3, %add3A_522 : vector<16xi32>
    %gather3A_524 = tpu.vector_load_idx %arg11[%add3A_504, %add3A_523] : memref<64x32xi32, #tpu.memory_space<vmem>>[vector<16xi32>, vector<16xi32>], vector<16xi32>,
    %add3A_525 = arith.addi %add3A_520, %gather3A_524 : vector<16xi32>
    %add3A_526 = arith.constant 5 : i32
    %add3A_527 = vector.broadcast %add3A_526 : i32 to vector<16xi32>
    %add3A_528 = arith.addi %broadcast_in_dim3A_3, %add3A_527 : vector<16xi32>
    %gather3A_529 = tpu.vector_load_idx %arg11[%add3A_504, %add3A_528] : memref<64x32xi32, #tpu.memory_space<vmem>>[vector<16xi32>, vector<16xi32>], vector<16xi32>,
    %add3A_530 = arith.addi %add3A_525, %gather3A_529 : vector<16xi32>
    %add3A_531 = arith.constant 6 : i32
    %add3A_532 = vector.broadcast %add3A_531 : i32 to vector<16xi32>
    %add3A_533 = arith.addi %broadcast_in_dim3A_3, %add3A_532 : vector<16xi32>
    %gather3A_534 = tpu.vector_load_idx %arg11[%add3A_504, %add3A_533] : memref<64x32xi32, #tpu.memory_space<vmem>>[vector<16xi32>, vector<16xi32>], vector<16xi32>,
    %add3A_535 = arith.addi %add3A_530, %gather3A_534 : vector<16xi32>
    %add3A_536 = arith.constant 7 : i32
    %add3A_537 = vector.broadcast %add3A_536 : i32 to vector<16xi32>
    %add3A_538 = arith.addi %broadcast_in_dim3A_3, %add3A_537 : vector<16xi32>
    %gather3A_539 = tpu.vector_load_idx %arg11[%add3A_504, %add3A_538] : memref<64x32xi32, #tpu.memory_space<vmem>>[vector<16xi32>, vector<16xi32>], vector<16xi32>,
    %add3A_540 = arith.addi %add3A_535, %gather3A_539 : vector<16xi32>
    %add3A_541 = arith.constant 8 : i32
    %add3A_542 = vector.broadcast %add3A_541 : i32 to vector<16xi32>
    %add3A_543 = arith.addi %broadcast_in_dim3A_3, %add3A_542 : vector<16xi32>
    %gather3A_544 = tpu.vector_load_idx %arg11[%add3A_504, %add3A_543] : memref<64x32xi32, #tpu.memory_space<vmem>>[vector<16xi32>, vector<16xi32>], vector<16xi32>,
    %add3A_545 = arith.addi %add3A_540, %gather3A_544 : vector<16xi32>
    %add3A_546 = arith.constant 9 : i32
    %add3A_547 = vector.broadcast %add3A_546 : i32 to vector<16xi32>
    %add3A_548 = arith.addi %broadcast_in_dim3A_3, %add3A_547 : vector<16xi32>
    %gather3A_549 = tpu.vector_load_idx %arg11[%add3A_504, %add3A_548] : memref<64x32xi32, #tpu.memory_space<vmem>>[vector<16xi32>, vector<16xi32>], vector<16xi32>,
    %add3A_550 = arith.addi %add3A_545, %gather3A_549 : vector<16xi32>
    %add3A_551 = arith.constant 10 : i32
    %add3A_552 = vector.broadcast %add3A_551 : i32 to vector<16xi32>
    %add3A_553 = arith.addi %broadcast_in_dim3A_3, %add3A_552 : vector<16xi32>
    %gather3A_554 = tpu.vector_load_idx %arg11[%add3A_504, %add3A_553] : memref<64x32xi32, #tpu.memory_space<vmem>>[vector<16xi32>, vector<16xi32>], vector<16xi32>,
    %add3A_555 = arith.addi %add3A_550, %gather3A_554 : vector<16xi32>
    %add3A_556 = arith.constant 11 : i32
    %add3A_557 = vector.broadcast %add3A_556 : i32 to vector<16xi32>
    %add3A_558 = arith.addi %broadcast_in_dim3A_3, %add3A_557 : vector<16xi32>
    %gather3A_559 = tpu.vector_load_idx %arg11[%add3A_504, %add3A_558] : memref<64x32xi32, #tpu.memory_space<vmem>>[vector<16xi32>, vector<16xi32>], vector<16xi32>,
    %add3A_560 = arith.addi %add3A_555, %gather3A_559 : vector<16xi32>
    %add3A_561 = arith.constant 12 : i32
    %add3A_562 = vector.broadcast %add3A_561 : i32 to vector<16xi32>
    %add3A_563 = arith.addi %broadcast_in_dim3A_3, %add3A_562 : vector<16xi32>
    %gather3A_564 = tpu.vector_load_idx %arg11[%add3A_504, %add3A_563] : memref<64x32xi32, #tpu.memory_space<vmem>>[vector<16xi32>, vector<16xi32>], vector<16xi32>,
    %add3A_565 = arith.addi %add3A_560, %gather3A_564 : vector<16xi32>
    %add3A_566 = arith.constant 13 : i32
    %add3A_567 = vector.broadcast %add3A_566 : i32 to vector<16xi32>
    %add3A_568 = arith.addi %broadcast_in_dim3A_3, %add3A_567 : vector<16xi32>
    %gather3A_569 = tpu.vector_load_idx %arg11[%add3A_504, %add3A_568] : memref<64x32xi32, #tpu.memory_space<vmem>>[vector<16xi32>, vector<16xi32>], vector<16xi32>,
    %add3A_570 = arith.addi %add3A_565, %gather3A_569 : vector<16xi32>
    %add3A_571 = arith.constant 14 : i32
    %add3A_572 = vector.broadcast %add3A_571 : i32 to vector<16xi32>
    %add3A_573 = arith.addi %broadcast_in_dim3A_3, %add3A_572 : vector<16xi32>
    %gather3A_574 = tpu.vector_load_idx %arg11[%add3A_504, %add3A_573] : memref<64x32xi32, #tpu.memory_space<vmem>>[vector<16xi32>, vector<16xi32>], vector<16xi32>,
    %add3A_575 = arith.addi %add3A_570, %gather3A_574 : vector<16xi32>
    %add3A_576 = arith.constant 15 : i32
    %add3A_577 = vector.broadcast %add3A_576 : i32 to vector<16xi32>
    %add3A_578 = arith.addi %broadcast_in_dim3A_3, %add3A_577 : vector<16xi32>
    %gather3A_579 = tpu.vector_load_idx %arg11[%add3A_504, %add3A_578] : memref<64x32xi32, #tpu.memory_space<vmem>>[vector<16xi32>, vector<16xi32>], vector<16xi32>,
    %add3A_580 = arith.addi %add3A_575, %gather3A_579 : vector<16xi32>
    %add3A_581 = arith.constant 16 : i32
    %add3A_582 = vector.broadcast %add3A_581 : i32 to vector<16xi32>
    %add3A_583 = arith.addi %broadcast_in_dim3A_3, %add3A_582 : vector<16xi32>
    %gather3A_584 = tpu.vector_load_idx %arg11[%add3A_504, %add3A_583] : memref<64x32xi32, #tpu.memory_space<vmem>>[vector<16xi32>, vector<16xi32>], vector<16xi32>,
    %add3A_585 = arith.addi %add3A_580, %gather3A_584 : vector<16xi32>
    %add3A_586 = arith.constant 17 : i32
    %add3A_587 = vector.broadcast %add3A_586 : i32 to vector<16xi32>
    %add3A_588 = arith.addi %broadcast_in_dim3A_3, %add3A_587 : vector<16xi32>
    %gather3A_589 = tpu.vector_load_idx %arg11[%add3A_504, %add3A_588] : memref<64x32xi32, #tpu.memory_space<vmem>>[vector<16xi32>, vector<16xi32>], vector<16xi32>,
    %add3A_590 = arith.addi %add3A_585, %gather3A_589 : vector<16xi32>
    %add3A_591 = arith.constant 18 : i32
    %add3A_592 = vector.broadcast %add3A_591 : i32 to vector<16xi32>
    %add3A_593 = arith.addi %broadcast_in_dim3A_3, %add3A_592 : vector<16xi32>
    %gather3A_594 = tpu.vector_load_idx %arg11[%add3A_504, %add3A_593] : memref<64x32xi32, #tpu.memory_space<vmem>>[vector<16xi32>, vector<16xi32>], vector<16xi32>,
    %add3A_595 = arith.addi %add3A_590, %gather3A_594 : vector<16xi32>
    %add3A_596 = arith.constant 19 : i32
    %add3A_597 = vector.broadcast %add3A_596 : i32 to vector<16xi32>
    %add3A_598 = arith.addi %broadcast_in_dim3A_3, %add3A_597 : vector<16xi32>
    %gather3A_599 = tpu.vector_load_idx %arg11[%add3A_504, %add3A_598] : memref<64x32xi32, #tpu.memory_space<vmem>>[vector<16xi32>, vector<16xi32>], vector<16xi32>,
    %add3A_600 = arith.addi %add3A_595, %gather3A_599 : vector<16xi32>
    %add3A_601 = arith.constant 20 : i32
    %add3A_602 = vector.broadcast %add3A_601 : i32 to vector<16xi32>
    %add3A_603 = arith.addi %broadcast_in_dim3A_3, %add3A_602 : vector<16xi32>
    %gather3A_604 = tpu.vector_load_idx %arg11[%add3A_504, %add3A_603] : memref<64x32xi32, #tpu.memory_space<vmem>>[vector<16xi32>, vector<16xi32>], vector<16xi32>,
    %add3A_605 = arith.addi %add3A_600, %gather3A_604 : vector<16xi32>
    %add3A_606 = arith.constant 21 : i32
    %add3A_607 = vector.broadcast %add3A_606 : i32 to vector<16xi32>
    %add3A_608 = arith.addi %broadcast_in_dim3A_3, %add3A_607 : vector<16xi32>
    %gather3A_609 = tpu.vector_load_idx %arg11[%add3A_504, %add3A_608] : memref<64x32xi32, #tpu.memory_space<vmem>>[vector<16xi32>, vector<16xi32>], vector<16xi32>,
    %add3A_610 = arith.addi %add3A_605, %gather3A_609 : vector<16xi32>
    %add3A_611 = arith.constant 22 : i32
    %add3A_612 = vector.broadcast %add3A_611 : i32 to vector<16xi32>
    %add3A_613 = arith.addi %broadcast_in_dim3A_3, %add3A_612 : vector<16xi32>
    %gather3A_614 = tpu.vector_load_idx %arg11[%add3A_504, %add3A_613] : memref<64x32xi32, #tpu.memory_space<vmem>>[vector<16xi32>, vector<16xi32>], vector<16xi32>,
    %add3A_615 = arith.addi %add3A_610, %gather3A_614 : vector<16xi32>
    %add3A_616 = arith.constant 23 : i32
    %add3A_617 = vector.broadcast %add3A_616 : i32 to vector<16xi32>
    %add3A_618 = arith.addi %broadcast_in_dim3A_3, %add3A_617 : vector<16xi32>
    %gather3A_619 = tpu.vector_load_idx %arg11[%add3A_504, %add3A_618] : memref<64x32xi32, #tpu.memory_space<vmem>>[vector<16xi32>, vector<16xi32>], vector<16xi32>,
    %add3A_620 = arith.addi %add3A_615, %gather3A_619 : vector<16xi32>
    %add3A_621 = arith.constant 24 : i32
    %add3A_622 = vector.broadcast %add3A_621 : i32 to vector<16xi32>
    %add3A_623 = arith.addi %broadcast_in_dim3A_3, %add3A_622 : vector<16xi32>
    %gather3A_624 = tpu.vector_load_idx %arg11[%add3A_504, %add3A_623] : memref<64x32xi32, #tpu.memory_space<vmem>>[vector<16xi32>, vector<16xi32>], vector<16xi32>,
    %add3A_625 = arith.addi %add3A_620, %gather3A_624 : vector<16xi32>
    %add3A_626 = arith.constant 25 : i32
    %add3A_627 = vector.broadcast %add3A_626 : i32 to vector<16xi32>
    %add3A_628 = arith.addi %broadcast_in_dim3A_3, %add3A_627 : vector<16xi32>
    %gather3A_629 = tpu.vector_load_idx %arg11[%add3A_504, %add3A_628] : memref<64x32xi32, #tpu.memory_space<vmem>>[vector<16xi32>, vector<16xi32>], vector<16xi32>,
    %add3A_630 = arith.addi %add3A_625, %gather3A_629 : vector<16xi32>
    %add3A_631 = arith.constant 26 : i32
    %add3A_632 = vector.broadcast %add3A_631 : i32 to vector<16xi32>
    %add3A_633 = arith.addi %broadcast_in_dim3A_3, %add3A_632 : vector<16xi32>
    %gather3A_634 = tpu.vector_load_idx %arg11[%add3A_504, %add3A_633] : memref<64x32xi32, #tpu.memory_space<vmem>>[vector<16xi32>, vector<16xi32>], vector<16xi32>,
    %add3A_635 = arith.addi %add3A_630, %gather3A_634 : vector<16xi32>
    %add3A_636 = arith.constant 27 : i32
    %add3A_637 = vector.broadcast %add3A_636 : i32 to vector<16xi32>
    %add3A_638 = arith.addi %broadcast_in_dim3A_3, %add3A_637 : vector<16xi32>
    %gather3A_639 = tpu.vector_load_idx %arg11[%add3A_504, %add3A_638] : memref<64x32xi32, #tpu.memory_space<vmem>>[vector<16xi32>, vector<16xi32>], vector<16xi32>,
    %add3A_640 = arith.addi %add3A_635, %gather3A_639 : vector<16xi32>
    %add3A_641 = arith.constant 28 : i32
    %add3A_642 = vector.broadcast %add3A_641 : i32 to vector<16xi32>
    %add3A_643 = arith.addi %broadcast_in_dim3A_3, %add3A_642 : vector<16xi32>
    %gather3A_644 = tpu.vector_load_idx %arg11[%add3A_504, %add3A_643] : memref<64x32xi32, #tpu.memory_space<vmem>>[vector<16xi32>, vector<16xi32>], vector<16xi32>,
    %add3A_645 = arith.addi %add3A_640, %gather3A_644 : vector<16xi32>
    %add3A_646 = arith.constant 29 : i32
    %add3A_647 = vector.broadcast %add3A_646 : i32 to vector<16xi32>
    %add3A_648 = arith.addi %broadcast_in_dim3A_3, %add3A_647 : vector<16xi32>
    %gather3A_649 = tpu.vector_load_idx %arg11[%add3A_504, %add3A_648] : memref<64x32xi32, #tpu.memory_space<vmem>>[vector<16xi32>, vector<16xi32>], vector<16xi32>,
    %add3A_650 = arith.addi %add3A_645, %gather3A_649 : vector<16xi32>
    %add3A_651 = arith.constant 30 : i32
    %add3A_652 = vector.broadcast %add3A_651 : i32 to vector<16xi32>
    %add3A_653 = arith.addi %broadcast_in_dim3A_3, %add3A_652 : vector<16xi32>
    %gather3A_654 = tpu.vector_load_idx %arg11[%add3A_504, %add3A_653] : memref<64x32xi32, #tpu.memory_space<vmem>>[vector<16xi32>, vector<16xi32>], vector<16xi32>,
    %add3A_655 = arith.addi %add3A_650, %gather3A_654 : vector<16xi32>
    %add3A_656 = arith.constant 31 : i32
    %add3A_657 = vector.broadcast %add3A_656 : i32 to vector<16xi32>
    %add3A_658 = arith.addi %broadcast_in_dim3A_3, %add3A_657 : vector<16xi32>
    %gather3A_659 = tpu.vector_load_idx %arg11[%add3A_504, %add3A_658] : memref<64x32xi32, #tpu.memory_space<vmem>>[vector<16xi32>, vector<16xi32>], vector<16xi32>,
    %add3A_660 = arith.addi %add3A_655, %gather3A_659 : vector<16xi32>
    %swap3A_661 = arith.constant 48 : index
    %swap3A_662 = tpu.vector_load %arg12[%swap3A_661] {strides = array<i32>} : memref<64xi32, #tpu.memory_space<vmem>>, vector<16xi32>,
    tpu.vector_store %arg12[%swap3A_661], %add3A_660 {strides = array<i32>} : memref<64xi32, #tpu.memory_space<vmem>>, vector<16xi32>,
    "tpu.region"() ({
      %run_scoped3A = tpu.sem_alloc : memref<!tpu.dma_semaphore, #tpu.memory_space<semaphore_mem>>
      %dma_start3A = arith.constant 0 : i32
      %dma_start3A_663 = tpu.memref_slice %arg6[%add3A, %dma_start3A] : memref<32x64xi32, #tpu.memory_space<hbm>> -> memref<1x64xi32, #tpu.memory_space<hbm>>
      %dma_start3A_664 = tpu.memref_squeeze %dma_start3A_663 : memref<1x64xi32, #tpu.memory_space<hbm>> -> memref<64xi32, #tpu.memory_space<hbm>>
      %dma_start3A_665 = arith.constant 0 : i32
      %dma_start3A_666 = tpu.memref_slice %arg6[%add3A, %dma_start3A_665] : memref<32x64xi32, #tpu.memory_space<hbm>> -> memref<1x64xi32, #tpu.memory_space<hbm>>
      %dma_start3A_667 = tpu.memref_squeeze %dma_start3A_666 : memref<1x64xi32, #tpu.memory_space<hbm>> -> memref<64xi32, #tpu.memory_space<hbm>>
      tpu.enqueue_dma source(%arg12 : memref<64xi32, #tpu.memory_space<vmem>>) target(%dma_start3A_667 : memref<64xi32, #tpu.memory_space<hbm>>) target_semaphore(%run_scoped3A : memref<!tpu.dma_semaphore, #tpu.memory_space<semaphore_mem>>)
      %dma_wait3A = arith.constant 0 : i32
      %dma_wait3A_668 = tpu.memref_slice %arg6[%add3A, %dma_wait3A] : memref<32x64xi32, #tpu.memory_space<hbm>> -> memref<1x64xi32, #tpu.memory_space<hbm>>
      %dma_wait3A_669 = tpu.memref_squeeze %dma_wait3A_668 : memref<1x64xi32, #tpu.memory_space<hbm>> -> memref<64xi32, #tpu.memory_space<hbm>>
      %dma_wait3A_670 = arith.constant 0 : i32
      %dma_wait3A_671 = tpu.memref_slice %arg6[%add3A, %dma_wait3A_670] : memref<32x64xi32, #tpu.memory_space<hbm>> -> memref<1x64xi32, #tpu.memory_space<hbm>>
      %dma_wait3A_672 = tpu.memref_squeeze %dma_wait3A_671 : memref<1x64xi32, #tpu.memory_space<hbm>> -> memref<64xi32, #tpu.memory_space<hbm>>
      tpu.wait_dma2 semaphore(%run_scoped3A : memref<!tpu.dma_semaphore, #tpu.memory_space<semaphore_mem>>) src(%arg12 : memref<64xi32, #tpu.memory_space<vmem>>) dst(%dma_wait3A_672 : memref<64xi32, #tpu.memory_space<hbm>>)
      tpu.yield
    }) : () -> ()
    return
  }
}

module attributes {stable_mosaic.version = 14 : i64} {
  func.func @_hist_sum_body(%arg0: memref<32x64xi32, #tpu.memory_space<vmem>>, %arg1: memref<64xi32, #tpu.memory_space<vmem>>) attributes {dimension_semantics = [], scalar_prefetch = 0 : i64, scratch_operands = 0 : i64, tpu.core_type = #tpu.core_type<tc>} {
    %get3A = arith.constant 0 : index
    %get3A_0 = arith.constant 0 : index
    %get3A_1 = vector.load %arg0[%get3A, %get3A_0] : memref<32x64xi32, #tpu.memory_space<vmem>>, vector<32x64xi32>
    %reduce_sum3A = arith.constant dense<0> : vector<64xi32>
    %reduce_sum3A_2 = vector.multi_reduction <add>, %get3A_1, %reduce_sum3A [0] : vector<32x64xi32> to vector<64xi32>
    %swap3A = arith.constant 0 : index
    %swap3A_3 = vector.load %arg1[%swap3A] : memref<64xi32, #tpu.memory_space<vmem>>, vector<64xi32>
    tpu.vector_store %arg1[%swap3A], %reduce_sum3A_2 {strides = array<i32>} : memref<64xi32, #tpu.memory_space<vmem>>, vector<64xi32>,
    return
  }
}

</mosaic_0001>

<sc_bundles>
// kernel: kernel.4.cloned.1.call-start
scs
__scs_entry_jumppad:
0x0: {  	(pc) =	sbr.rel $0x88, $3  }
0x1: {  	(tag) =	ssettag $0x0;
	lr =	simm.s32 $0x1  }
0x2: {  	[smem:$0x3F9F] =	sst lr;
	_ =	strace $0xD0000000  }
0x3: {  	_ = 	snop  }
0x4: {  	_ = 	snop  }
0x5: {  	_ = 	snop  }
0x6: {  	_ = 	snop  }
0x7: {  	_ = 	snop  }
__scs_overlays_trampoline_lowered:
0x8: {  	[smem:$0x3FAE] =	sst s0  }
0x9: {  	[smem:$0x3FAF] =	sst s1  }
0xa: {  	[smem:$0x3FB0] =	sst s2  }
0xb: {  	[smem:$0x3FB1] =	sst s3  }
0xc: {  	[smem:$0x3FB2] =	sst s4  }
0xd: {  	[smem:$0x3FB3] =	sst s5  }
0xe: {  	[smem:$0x3FB4] =	sst s6  }
0xf: {  	[smem:$0x3FB5] =	sst s7  }
0x10: {  	[smem:$0x3FB6] =	sst s8  }
0x11: {  	[smem:$0x3FB7] =	sst s9;
	s0 =	simm.s32 @!p0 $0x0  }
0x12: {  	s1 =	sld [smem:$0x3F9D];
	s0 =	simm.s32 @p0 $0x1  }
0x13: {  	[smem:$0x3FB8] =	sst s0;
	s0 =	simm.s32 @!p1 $0x0  }
0x14: {  	s2 =	sld [smem:$0x3F9C];
	s0 =	simm.s32 @p1 $0x1  }
0x15: {  	[smem:$0x3FB9] =	sst s0;
	s0 =	simm.s32 @!p2 $0x0  }
0x16: {  	s3 =	sld [smem:$0x3FDB];
	s0 =	simm.s32 @p2 $0x1  }
0x17: {  	s4 =	simm.s32 $0x1BF5;
	[smem:$0x3FBB] =	sst s0  }
0x18: {  	s0 =	sld [smem:$0x3F9E];
	_ =	swait.ge [sflag:s4], $0x0  }
0x19: {  	s7 =	sld [smem:$0x3F9F]  }
0x1a: {  	s8 =	sadd.s32 $0xFFFFE003, lr  }
0x1b: {  	s9 =	sadd.s32 $0xFFFFFEF7, lr;
	s5 =	simm.s32 $0xFFFFFFFF;
	p2 =	slt.u32 s8, $0xFFFFF086  }
0x1c: {  	p1 =	slt.u32 s9, $0xF7A;
	s5 =	simm.s32 @!p2 $0x0  }
0x1d: {  	s5 =	simm.s32 @p1 $0x1;
	p0 =	seq.s32 s7, s2  }
0x1e: {  	s7 =	smul.u32 @!p0 $0xF7A, s2;
	p2 =	seq.s32 @!p0 s5, $0x0  }
0x1f: {  	s9 =	smul.u32 $0xF7A, s1;
	s8 =	simm.s32 @!p0 $0x1BF5;
	p2 =	por !p2, p0  }
0x20: {  	[sflag:s8] =	ssyncset.s32 @!p0 $0xFFFFF086;
	s6 =	sadd.s32 @!p0 s3, s7;
	s7 =	simm.s32 @!p0 $0x108  }
0x21: {  	s3 =	sadd.s32 s3, s9;
	s6 =	sadd.s32 @!p0 $0x88, s6;
	s7 =	simm.s32 @p2 $0x1082  }
0x22: {  	[simem:s7], [sflag:s8] =	dma.local @!p0 [hbm:s6], $0xF7A  }
0x23: {  	s9 =	sor.u32 $0xD0000000, s2;
	s6 =	simm.s32 $0x108;
	_ =	swait.ge @!p0 [sflag:s8], $0x0  }
0x24: {  	s3 =	sadd.s32 $0x88, s3;
	s6 =	simm.s32 @!p1 $0x1082;
	[sflag:s4] =	ssyncset.s32 $0xFFFFF086  }
0x25: {  	[simem:s6], [sflag:s4] =	dma.local [hbm:s3], $0xF7A  }
0x26: {  	[smem:$0x3F9F] =	sst s1;
	(tag) =	ssettag s2;
	_ =	strace s9  }
0x27: {  	s1 =	sld [smem:$0x3FAF]  }
0x28: {  	s2 =	sld [smem:$0x3FB0]  }
0x29: {  	s4 =	sld [smem:$0x3FB2]  }
0x2a: {  	p0 =	seq.s32 s5, $0x0;
	s5 =	sld [smem:$0x3FB3]  }
0x2b: {  	s6 =	sld [smem:$0x3FB4]  }
0x2c: {  	s7 =	sld [smem:$0x3FB5]  }
0x2d: {  	s3 =	simm.s32 $0x108;
	s8 =	sld [smem:$0x3FB6]  }
0x2e: {  	s3 =	simm.s32 @!p0 $0x1082;
	s9 =	sld [smem:$0x3FB7]  }
0x2f: {  	lr =	sadd.s32 s0, s3;
	s0 =	sld [smem:$0x3FAE]  }
0x30: {  	s3 =	sld [smem:$0x3FB1]  }
0x31: {  	[smem:$0x3FBA] =	sst s10  }
0x32: {  	s10 =	sld [smem:$0x3FB8];
	_ =	sdelay $0x3  }
0x33: {  	p0 =	seq.s32 s10, $0x1;
	s10 =	sld [smem:$0x3FBA];
	_ =	sdelay $0x3  }
0x34: {  	[smem:$0x3FBA] =	sst s10  }
0x35: {  	s10 =	sld [smem:$0x3FB9];
	_ =	sdelay $0x3  }
0x36: {  	p1 =	seq.s32 s10, $0x1;
	s10 =	sld [smem:$0x3FBA];
	_ =	sdelay $0x3  }
0x37: {  	[smem:$0x3FBA] =	sst s10  }
0x38: {  	s10 =	sld [smem:$0x3FBB]  }
0x39: {  	_ = 	snop;
	(pc) =	sbr.ind lr, $3  }
0x3a: {  	_ = 	snop  }
0x3b: {  	_ = 	snop  }
0x3c: {  	p2 =	seq.s32 s10, $0x1;
	s10 =	sld [smem:$0x3FBA]  }
0x3d: {  	_ =	shalt  }
0x3e: {  	_ =	shalt  }
0x3f: {  	_ =	shalt  }
0x40: {  	_ =	shalt  }
0x41: {  	_ =	shalt  }
0x42: {  	_ =	shalt  }
0x43: {  	_ =	shalt  }
0x44: {  	_ =	shalt  }
0x45: {  	_ =	shalt  }
0x46: {  	_ =	shalt  }
0x47: {  	_ =	shalt  }
0x48: {  	_ =	shalt  }
0x49: {  	_ =	shalt  }
0x4a: {  	_ =	shalt  }
0x4b: {  	_ =	shalt  }
0x4c: {  	_ =	shalt  }
0x4d: {  	_ =	shalt  }
0x4e: {  	_ =	shalt  }
0x4f: {  	_ =	shalt  }
0x50: {  	_ =	shalt  }
0x51: {  	_ =	shalt  }
0x52: {  	_ =	shalt  }
0x53: {  	_ =	shalt  }
0x54: {  	_ =	shalt  }
0x55: {  	_ =	shalt  }
0x56: {  	_ =	shalt  }
0x57: {  	_ =	shalt  }
0x58: {  	_ =	shalt  }
0x59: {  	_ =	shalt  }
0x5a: {  	_ =	shalt  }
0x5b: {  	_ =	shalt  }
0x5c: {  	_ =	shalt  }
0x5d: {  	_ =	shalt  }
0x5e: {  	_ =	shalt  }
0x5f: {  	_ =	shalt  }
0x60: {  	_ =	shalt  }
0x61: {  	_ =	shalt  }
0x62: {  	_ =	shalt  }
0x63: {  	_ =	shalt  }
0x64: {  	_ =	shalt  }
0x65: {  	_ =	shalt  }
0x66: {  	_ =	shalt  }
0x67: {  	_ =	shalt  }
0x68: {  	_ =	shalt  }
0x69: {  	_ =	shalt  }
0x6a: {  	_ =	shalt  }
0x6b: {  	_ =	shalt  }
0x6c: {  	_ =	shalt  }
0x6d: {  	_ =	shalt  }
0x6e: {  	_ =	shalt  }
0x6f: {  	_ =	shalt  }
0x70: {  	_ =	shalt  }
0x71: {  	_ =	shalt  }
0x72: {  	_ =	shalt  }
0x73: {  	_ =	shalt  }
0x74: {  	_ =	shalt  }
0x75: {  	_ =	shalt  }
0x76: {  	_ =	shalt  }
0x77: {  	_ =	shalt  }
0x78: {  	_ =	shalt  }
0x79: {  	_ =	shalt  }
0x7a: {  	_ =	shalt  }
0x7b: {  	_ =	shalt  }
0x7c: {  	_ =	shalt  }
0x7d: {  	_ =	shalt  }
0x7e: {  	_ =	shalt  }
0x7f: {  	_ =	shalt  }
0x80: {  	_ =	shalt  }
0x81: {  	_ =	shalt  }
0x82: {  	_ =	shalt  }
0x83: {  	_ =	shalt  }
0x84: {  	_ =	shalt  }
0x85: {  	_ =	shalt  }
0x86: {  	_ =	shalt  }
0x87: {  	_ =	shalt  }
.Lfunc_end0:
.L_simem_size_0:
called_computation_lowered:
.L_overlay_start_0:
0x88: {  	s2 =	sld [smem:$0x3FD9]  }
0x89: {  	s3 =	sld [smem:$0x3FFE];
	_ =	sdelay $0x1  }
0x8a: {  	s1 =	srdreg.scid  }
0x8b: {  	s0 =	sand.u32 $0x1, s1  }
0x8c: {  	s14 =	sshll.u32 s0, $0xA;
	s2 =	sadd.s32 s3, s2  }
0x8d: {  	s2 =	sadd.s32 s2, s14  }
0x8e: {  	[smem:$0x3FC6] =	sst s2  }
0x8f: {  	_ = 	snop  }
0x90: {  	s2 =	sld [smem:$0x3FD0];
	_ =	sdelay $0x2  }
0x91: {  	s4 =	simm.s32 $0xA;
	s5 =	simm.s32 $0x10;
	s15 =	sld [smem:$0x3FC8]  }
0x92: {  	[smem:s5], [sflag:s4] =	dma.local [hbm:s2], $0x1  }
0x93: {  	_ =	swait.eq [sflag:s4], $0x1  }
0x94: {  	[sflag:s4] =	ssyncset.done $0x0  }
0x95: {  	s16 =	sld [smem:$0x10];
	[sflag:s4] =	ssyncadd.s32 $0xFFFFFFFF  }
0x96: {  	s17 =	sld [smem:$0x12];
	(tm) =	ssettm $0x1  }
0x97: {  	s18 =	sld [smem:$0x3FFB];
	_ =	sdelay $0x3  }
0x98: {  	_ =	strace s18  }
0x99: {  	s5 =	sld [smem:$0x3FFC];
	_ =	sdelay $0x3  }
0x9a: {  	_ =	strace s5  }
0x9b: {  	s5 =	sld [smem:$0x3FFD];
	_ =	sdelay $0x3  }
0x9c: {  	_ =	strace s5  }
0x9d: {  	_ =	strace $0x8FFFFFFF  }
0x9e: {  	s19 =	sld [smem:$0x3FDB];
	_ =	sdelay $0x1  }
0x9f: {  	s6 =	simm.s32 $_scs_section_size  }
0xa0: {  	s7 =	simm.s32 $_size__tile_overlayer_lowered;
	s8 =	simm.s32 $_tile_overlayer_lowered  }
0xa1: {  	s22 =	simm.s32 $0x1BFF;
	s21 =	sshll.u32 s8, $0x1;
	s5 =	sadd.s32 s6, s19  }
0xa2: {  	s9 =	simm.s32 $0x0;
	s20 =	sshll.u32 s7, $0x1;
	s7 =	sadd.s32 s21, s5  }
0xa3: {  	[timem:s9], [sflag:s22] =	dma.local [hbm:s7], s20  }
0xa4: {  	_ =	swait.ge [sflag:s22], s20  }
0xa5: {  	s6 =	ssub.s32 $0x0, s20;
	[sflag:s22] =	ssyncset.done $0x0  }
0xa6: {  	[sflag:s22] =	ssyncadd.s32 s6;
	_ =	sdelay $0x1  }
0xa7: {  	s23 =	simm.s32 $0x1B8B  }
0xa8: {  	_ =	swait.ge [sflag:s23], $0x1  }
0xa9: {  	[sflag:s23] =	ssyncset.done $0x0  }
0xaa: {  	s25 =	simm.s32 $0x1B8E;
	s24 =	sld [smem:$0x3FFE];
	[sflag:s23] =	ssyncadd.s32 $0xFFFFFFFF  }
0xab: {  	s26 =	simm.s32 $execute0_lowered;
	[smem:$0x3FD2] =	sst s25  }
0xac: {  	s7 =	sshll.u32 s26, $0x1;
	_ =	strace $0x80000046;
	[dreg:$0x1] =	wrdreg $0xFFFFFFFF  }
0xad: {  	s28 =	simm.s32 $_size_execute0_lowered;
	s5 =	sadd.s32 s5, s7;
	[dreg:$0x0] =	wrdreg $0x0  }
0xae: {  	s7 =	sshll.u32 s28, $0x1;
	[dreg:$0x2] =	wrdreg s5  }
0xaf: {  	[dreg:$0x3] =	wrdreg s7  }
0xb0: {  	[dreg:$0x4] =	wrdreg $0xC0  }
0xb1: {  	_ =	task [dreg:s9], $0x5FFFF  }
0xb2: {  	[dreg:$0x1] =	wrdreg $0xFFFFFFFF  }
0xb3: {  	[dreg:$0x0] =	wrdreg $0x60  }
0xb4: {  	[dreg:$0x2] =	wrdreg s16  }
0xb5: {  	[dreg:$0x3] =	wrdreg s15  }
0xb6: {  	[dreg:$0x4] =	wrdreg s17  }
0xb7: {  	[dreg:$0x5] =	wrdreg s24  }
0xb8: {  	[dreg:$0x6] =	wrdreg $0x9  }
0xb9: {  	_ =	task.clear_ibuf [dreg:s9], $0x7FFFF;
	_ =	strace $0x90000046  }
0xba: {  	s29 =	simm.s32 $0x9;
	_ =	strace $0x80000048  }
0xbb: {  	_ =	swait.ge [sflag:s29], $0x1  }
0xbc: {  	[sflag:s29] =	ssyncadd.s32 $0xFFFFFFFF  }
0xbd: {  	_ =	strace $0x90000048  }
0xbe: {  	_ =	sfence  }
0xbf: {  	s30 =	sld [smem:$0x0];
	_ =	sdelay $0x2  }
0xc0: {  	s31 =	sshll.u32 s1, $0xD;
	s1 =	sshrl.u32 s1, $0x2  }
0xc1: {  	s3 =	sand.u32 $0x4000, s31;
	s1 =	sadd.s32 s1, s30  }
0xc2: {  	s0 =	sor.u32 s3, s0;
	s1 =	sshll.u32 s1, $0x11  }
0xc3: {  	s0 =	sor.u32 s1, s0  }
0xc4: {  	s0 =	sadd.s32 $0x8F2B, s0  }
0xc5: {  	[sflag:s0] =	ssyncadd.remote.s32 $0x1  }
0xc6: {  	_ =	sfence.sel $0xFFFF  }
0xc7: {  	[dreg:$0x0] =	wrdreg $0xFFFFFFFF;
	(pc) =	sbr.abs _section_cstart, $3  }
0xc8: {  	[dreg:$0x1] =	wrdreg $0xFFFFFFFF  }
0xc9: {  	_ =	task.clear_ibuf [dreg:s9], $0x2FFFF;
	_ =	strace $0x9FFFFFFF  }
0xca: {  	(tm) =	ssettm $0x7FFFFFFF  }
0xcb: {  	_ =	shalt  }
tec
execute0_lowered:
.L_overlay_start_1:
0x0: {  	(tag) =	ssettag $0x1  }
0x1: {  	s4 =	rddreg [dreg:$0x0]  }
0x2: {  	s1 =	rddreg [dreg:$0x1]  }
0x3: {  	s5 =	rddreg [dreg:$0x2]  }
0x4: {  	s6 =	rddreg [dreg:$0x3]  }
0x5: {  	s0 =	rddreg [dreg:$0x4];
	s7 =	srdreg.scid  }
0x6: {  	s2 =	stileid.u32;
	s3 =	simm.s32 $0x0;
	s13 =	simm.s32 $0x14040  }
0x7: {  	s14 =	simm.s32 $0x14840;
	s7 =	sand.u32 $0x1, s7;
	s8 =	sshll.u32 s2, $0x1  }
0x8: {  	s15 =	simm.s32 $0x0;
	[smem:$0x7FF] =	sst s3;
	s8 =	sor.u32 s7, s8  }
0x9: {  	_ =	strace $0x80000047;
	s7 =	ssub.s32 $0x2, s7;
	s9 =	sshll.u32 s8, $0xA  }
0xa: {  	s11 =	sshll.u32 s8, $0x3;
	s12 =	sshrl.u32 s7, $0x1;
	s31 =	sshll.u32 s8, $0xD  }
0xb: {  	s10 =	sadd.s32 s9, s6;
	s11 =	sadd.s32 s11, s6;
	s12 =	ssub.s32 s7, s12  }
0xc: {  	s4 =	sadd.s32 s4, s31;
	s5 =	sadd.s32 s5, s9;
	s9 =	simm.s32 $0x14000  }
0xd: {  	s6 =	sadd.s32 $0x1400, s10;
	s7 =	sadd.s32 $0x9400, s11;
	s8 =	smax.u32 s12, $0x1  }
0xe: {  	v0 =	vimm.s32 $0x0;
	v1 =	vlaneseq.u32;
	v2 =	vimm.s32 $0x1;
	s10 =	simm.s32 $0x1;
	s11 =	simm.s32 $0x10000;
	s12 =	simm.s32 $0x12000  }
.LBB2_1:
0xf: {  	[tilespmem:s9], [sflag:$0x1] =	stream.linear.gather [hbm4b:s1+s3], $0x40, $0x38;
	[tilespmem:$0x14880] =	vst v63  }
0x10: {  	_ =	swait.ge [sflag:s10], $0x40  }
0x11: {  	[sflag:s10] =	ssyncset.done $0x0  }
0x12: {  	[sflag:s10] =	ssyncadd.s32 $0xFFFFFFC0  }
0x13: {  	[tilespmem:s3], [sflag:$0x1] =	stream.linear.gather [hbm4b:s4+s3], $0x10000, $0x38;
	[tilespmem:$0x14880] =	vst v63  }
0x14: {  	_ =	swait.ge [sflag:s10], $0x10000  }
0x15: {  	[sflag:s10] =	ssyncset.done $0x0  }
0x16: {  	s16 =	simm.s32 $0x80;
	s17 =	simm.s32 $0x0;
	[sflag:s10] =	ssyncadd.s32 $0xFFFF0000  }
.LBB2_2:
0x17: {  	p0 =	sne.s32 s16, $0x1F80;
	[tilespmem:s17+$0x14040] =	vst v0;
	s18 =	smov.u32 s16;
	s16 =	sadd.s32 $0x80, s16  }
.Ltmp0:
0x18: {  	[tilespmem:s17+$0x14050] =	vst v0;
	(pc) =	sbr.rel @p0 .LBB2_2-.Ltmp0, $2  }
0x19: {  	_ =	sdelay $0x2  }
0x1a: {  	s17 =	sshra.s32 s18, $0x2  }
0x1b: {  	[tilespmem:s17+$0x14040] =	vst v0  }
0x1c: {  	s16 =	simm.s32 $0x0;
	[tilespmem:s17+$0x14050] =	vst v0;
	s17 =	simm.s32 $0x0  }
.LBB2_4:
0x1d: {  	s18 =	sshll.u32 s17, $0x5  }
0x1e: {  	s19 =	sor.u32 $0x10, s18  }
0x1f: {  	v4 =	vmov s16;
	v3 =	vor.u32 s19, v1  }
0x20: {  	v6 =	vor.u32 s18, v1;
	v5 =	vand.u32 $0x38, v4;
	v28 =	vshll.u32 v3, $0x6  }
0x21: {  	v7 =	vand.u32 $0x7, v4;
	v29 =	vshll.u32 v6, $0x6;
	v8 =	vor.u32 v28, v5  }
0x22: {  	v5 =	vor.u32 v29, v5;
	v8 =	vor.u32 v7, v8  }
0x23: {  	v5 =	vor.u32 v7, v5;
	_ =	sdelay $0x3  }
0x24: {  	v7 =	vld.idx.msk [tilespmem:v8+s3+$0x0], $0xffff  }
0x25: {  	v5 =	vld.idx.msk [tilespmem:v5+s3+$0x0], $0xffff;
	_ =	sdelay $0x3  }
0x26: {  	v7 =	vsub.f32 $0.0e+00, v7  }
0x27: {  	v5 =	vsub.f32 $0.0e+00, v5  }
0x28: {  	v7 =	vmul.f32 $1.442695020e+00, v7  }
0x29: {  	v5 =	vmul.f32 $1.442695020e+00, v5  }
0x2a: {  	(erf) = vpow2.f32 v7  }
0x2b: {  	(erf) = vpow2.f32 v5;
	_ =	sdelay $0x7  }
0x2c: {  	v5 =	vpop (erf)  }
0x2d: {  	v5 =	vadd.f32 $1.000000000e+00, v5;
	v7 =	vpop (erf)  }
0x2e: {  	s18 =	simm.s32 $0x1;
	v7 =	vadd.f32 $1.000000000e+00, v7  }
0x2f: {  	v34 =	vimm.f32 $-Inf;
	v33 =	vmov s18;
	(erf) = vrcp.f32 v5  }
0x30: {  	v43 =	vimm.f32 $-Inf;
	v5 =	vand.u32 $0x38, v33;
	(erf) = vrcp.f32 v7  }
0x31: {  	v42 =	vimm.s32 $0x0;
	v7 =	vand.u32 $0x7, v33;
	v8 =	vor.u32 v28, v5  }
0x32: {  	v41 =	vimm.f32 $-Inf;
	v15 =	vimm.s32 $0x0;
	v8 =	vor.u32 v7, v8  }
0x33: {  	v24 =	vimm.f32 $-Inf;
	v22 =	vimm.f32 $-Inf;
	v23 =	vimm.f32 $-Inf  }
0x34: {  	v21 =	vimm.f32 $-Inf;
	v45 =	vimm.s32 $0x0;
	v19 =	vimm.f32 $-Inf;
	v4 =	vld.idx.msk [tilespmem:v4+s9+$0x0], $0xffff  }
0x35: {  	v20 =	vimm.s32 $0x0;
	v46 =	vimm.f32 $-Inf;
	v47 =	vimm.f32 $-Inf  }
0x36: {  	v48 =	vimm.s32 $0x0;
	v16 =	vimm.s32 $0x0;
	v5 =	vor.u32 v29, v5  }
0x37: {  	v17 =	vimm.f32 $-Inf;
	v18 =	vimm.s32 $0x0;
	v5 =	vor.u32 v7, v5;
	v8 =	vld.idx.msk [tilespmem:v8+s3+$0x0], $0xffff  }
0x38: {  	v50 =	vimm.f32 $-Inf;
	v52 =	vimm.s32 $0x0;
	v14 =	vimm.f32 $-Inf;
	v7 =	vpop (erf)  }
0x39: {  	v13 =	vimm.s32 $0x0;
	v49 =	vimm.s32 $0x0;
	v25 =	vadd.f32 v7, v4;
	v7 =	vpop (erf)  }
0x3a: {  	v54 =	vimm.s32 $0x0;
	v39 =	vimm.s32 $0x0;
	v9 =	vadd.f32 v7, v4  }
0x3b: {  	v44 =	vimm.s32 $0x0;
	v40 =	vimm.s32 $0x0;
	v7 =	vimm.s32 $0x0  }
0x3c: {  	v4 =	vld.idx.msk [tilespmem:v5+s3+$0x0], $0xffff;
	vm0 =	vgt.f32 v25, v34;
	v8 =	vsub.f32 $0.0e+00, v8;
	vm7 =	vgt.f32 v9, v34  }
0x3d: {  	v10 =	vsel vm0, v34, v25;
	v11 =	vnsel vm0, s16, v7;
	v38 =	vsel vm7, v34, v9  }
0x3e: {  	vm1 =	vgt.f32 v10, v34;
	v8 =	vmul.f32 $1.442695020e+00, v8;
	v32 =	vsel vm7, v9, v34  }
0x3f: {  	v9 =	vimm.s32 $0x0;
	vm4 =	vgt.f32 v38, v34;
	v30 =	vsel vm1, v34, v10  }
0x40: {  	v5 =	vsel vm1, v11, v7;
	v26 =	vsel vm1, v7, v11;
	v55 =	vsel vm4, v34, v38  }
0x41: {  	v12 =	vsub.f32 $0.0e+00, v4;
	v4 =	vsel vm1, v10, v34;
	vm10 =	vgt.f32 v55, v34  }
0x42: {  	v10 =	vnsel vm7, s16, v7;
	(erf) = vpow2.f32 v8;
	v56 =	vsel vm10, v34, v55  }
0x43: {  	vm1 =	vgt.f32 v30, v34;
	v12 =	vmul.f32 $1.442695020e+00, v12;
	vm9 =	vgt.f32 v56, v34  }
0x44: {  	v37 =	vsel vm1, v34, v30;
	v31 =	vsel vm1, v7, v26;
	v8 =	vsel vm9, v34, v56  }
0x45: {  	v36 =	vsel vm4, v10, v7;
	(erf) = vpow2.f32 v12;
	vm6 =	vgt.f32 v8, v34  }
0x46: {  	v59 =	vsel vm4, v7, v10;
	vm2 =	vgt.f32 v37, v34;
	v58 =	vsel vm6, v34, v8  }
0x47: {  	v10 =	vimm.s32 $0x0;
	v51 =	vsel vm2, v34, v37;
	vm5 =	vgt.f32 v58, v34  }
0x48: {  	v57 =	vsel vm10, v7, v59;
	vm3 =	vgt.f32 v51, v34;
	v60 =	vsel vm5, v34, v58  }
0x49: {  	v12 =	vimm.s32 $0x0;
	v35 =	vsel vm3, v34, v51;
	vm8 =	vgt.f32 v60, v34  }
0x4a: {  	s20 =	simm.s32 $0x2;
	s19 =	simm.s32 $0x0;
	v11 =	vmovc v5;
	v53 =	vmovc v36;
	v27 =	vsel vm6, v8, v34;
	v8 =	vimm.f32 $-Inf;
	v61 =	vsel vm8, v34, v60  }
.LBB2_5:
0x4b: {  	p0 =	sne.s32 s20, $0x3F;
	v34 =	vsel vm5, v58, v34;
	v43 =	vsel vm8, v60, v43;
	v58 =	vsel vm2, v7, v31;
	s21 =	smov.u32 s20;
	s20 =	sadd.s32 $0x1, s20  }
0x4c: {  	v42 =	vsel vm10, v59, v42;
	vm11 =	vgt.f32 v61, v41;
	v59 =	vsel vm3, v15, v58  }
0x4d: {  	v24 =	vsel vm0, v25, v24;
	v22 =	vsel vm3, v51, v22;
	v41 =	vsel vm11, v61, v41;
	v60 =	vpop (erf)  }
0x4e: {  	v23 =	vsel vm1, v30, v23;
	v21 =	vsel vm2, v37, v21;
	v25 =	vadd.f32 $1.000000000e+00, v60;
	v51 =	vpop (erf)  }
0x4f: {  	v45 =	vsel vm7, s19, v45;
	vm7 =	vgt.f32 v35, v19;
	v30 =	vadd.f32 $1.000000000e+00, v51  }
0x50: {  	v19 =	vsel vm7, v35, v19;
	v20 =	vsel vm7, v59, v20;
	(erf) = vrcp.f32 v25  }
0x51: {  	v46 =	vsel vm9, v56, v46;
	v12 =	vsel vm0, s19, v12;
	s19 =	smov.u32 s18;
	s18 =	smov.u32 s21;
	(erf) = vrcp.f32 v30  }
0x52: {  	v47 =	vsel vm10, v55, v47;
	v25 =	vmov s18  }
0x53: {  	v48 =	vsel vm9, v57, v48;
	v30 =	vand.u32 $0x38, v25;
	v37 =	vand.u32 $0x7, v25  }
0x54: {  	v15 =	vsel vm3, v58, v15;
	v51 =	vor.u32 v29, v30;
	v30 =	vor.u32 v28, v30;
	v55 =	vld.idx.msk [tilespmem:v33+s9+$0x0], $0xffff  }
0x55: {  	v7 =	vsel vm2, v31, v7;
	v51 =	vor.u32 v37, v51;
	v30 =	vor.u32 v37, v30;
	v33 =	vmovc v25  }
0x56: {  	v16 =	vsel vm1, v26, v16;
	v26 =	vsel vm7, v18, v59;
	v25 =	vsel vm7, v17, v35;
	v17 =	vmovc v19  }
0x57: {  	v50 =	vsel vm4, v38, v50;
	v31 =	vsel vm9, v52, v57;
	v18 =	vmovc v20;
	vm0 =	vgt.f32 v25, v14  }
0x58: {  	v52 =	vmovc v48;
	v35 =	vsel vm0, v14, v25;
	v14 =	vsel vm0, v25, v14;
	v13 =	vsel vm0, v26, v13  }
0x59: {  	v49 =	vsel vm6, v31, v49;
	v10 =	vsel vm0, v10, v26;
	vm0 =	vgt.f32 v35, v8;
	v25 =	vpop (erf)  }
0x5a: {  	v31 =	vsel vm6, v54, v31;
	v8 =	vsel vm0, v35, v8;
	v26 =	vld.idx.msk [tilespmem:v30+s3+$0x0], $0xffff;
	v25 =	vadd.f32 v25, v55;
	v30 =	vpop (erf)  }
0x5b: {  	v9 =	vsel vm0, v10, v9;
	v35 =	vld.idx.msk [tilespmem:v51+s3+$0x0], $0xffff;
	v51 =	vadd.f32 v30, v55;
	v30 =	vsel vm5, v39, v31  }
0x5c: {  	v10 =	vmovc v13;
	vm0 =	vgt.f32 v25, v24;
	v37 =	vsel vm8, v44, v30;
	v44 =	vsel vm8, v30, v44  }
0x5d: {  	v54 =	vmovc v49;
	v39 =	vsel vm5, v31, v39;
	vm7 =	vgt.f32 v51, v32;
	v56 =	vsel vm0, v24, v25  }
0x5e: {  	v40 =	vsel vm11, v37, v40;
	v38 =	vsel vm7, v32, v51;
	vm1 =	vgt.f32 v56, v4  }
0x5f: {  	v31 =	vnsel vm0, s19, v12;
	vm4 =	vgt.f32 v38, v50;
	v30 =	vsel vm1, v4, v56  }
0x60: {  	v26 =	vsub.f32 $0.0e+00, v26;
	v5 =	vsel vm1, v31, v5;
	v55 =	vsel vm4, v50, v38  }
0x61: {  	v4 =	vsel vm1, v56, v4;
	v35 =	vsub.f32 $0.0e+00, v35;
	vm10 =	vgt.f32 v55, v47  }
0x62: {  	v57 =	vnsel vm7, s19, v45;
	v37 =	vmul.f32 $1.442695020e+00, v26;
	v56 =	vsel vm10, v47, v55  }
0x63: {  	v26 =	vsel vm1, v11, v31;
	v11 =	vmovc v5;
	v35 =	vmul.f32 $1.442695020e+00, v35;
	vm9 =	vgt.f32 v56, v46  }
0x64: {  	vm1 =	vgt.f32 v30, v23;
	(erf) = vpow2.f32 v37;
	v31 =	vsel vm9, v46, v56  }
0x65: {  	v37 =	vsel vm1, v23, v30;
	(erf) = vpow2.f32 v35;
	vm6 =	vgt.f32 v31, v27  }
.Ltmp1:
0x66: {  	v58 =	vsel vm6, v27, v31;
	v27 =	vsel vm6, v31, v27;
	v31 =	vsel vm1, v16, v26;
	(pc) =	sbr.rel @p0 .LBB2_5-.Ltmp1, $4  }
0x67: {  	v36 =	vsel vm4, v57, v36;
	vm2 =	vgt.f32 v37, v21;
	vm5 =	vgt.f32 v58, v34  }
0x68: {  	v32 =	vsel vm7, v51, v32;
	v51 =	vsel vm2, v21, v37;
	v60 =	vsel vm5, v34, v58  }
0x69: {  	v59 =	vsel vm4, v53, v57;
	v53 =	vmovc v36;
	vm3 =	vgt.f32 v51, v22;
	vm8 =	vgt.f32 v60, v43  }
0x6a: {  	v57 =	vsel vm10, v42, v59;
	v35 =	vsel vm3, v22, v51;
	v61 =	vsel vm8, v43, v60  }
0x6b: {  	_ =	sdelay $0x1  }
0x6c: {  	v28 =	vpop (erf)  }
0x6d: {  	v28 =	vadd.f32 $1.000000000e+00, v28;
	v29 =	vpop (erf)  }
0x6e: {  	v29 =	vadd.f32 $1.000000000e+00, v29  }
0x6f: {  	(erf) = vrcp.f32 v28  }
0x70: {  	(erf) = vrcp.f32 v29;
	_ =	sdelay $0x4  }
0x71: {  	v28 =	vld.idx.msk [tilespmem:v33+s9+$0x0], $0xffff;
	_ =	sdelay $0x2  }
0x72: {  	v29 =	vpop (erf)  }
0x73: {  	v42 =	vsel vm10, v59, v42;
	v33 =	vsel vm5, v58, v34;
	v58 =	vpop (erf)  }
0x74: {  	vm11 =	vgt.f32 v61, v41;
	v34 =	vsel vm8, v60, v43;
	v43 =	vadd.f32 v58, v28  }
0x75: {  	v45 =	vsel vm7, s19, v45;
	v46 =	vsel vm9, v56, v46;
	v47 =	vsel vm10, v55, v47  }
0x76: {  	v48 =	vsel vm9, v57, v48;
	v38 =	vsel vm4, v38, v50;
	vm15 =	vgt.f32 v43, v32  }
0x77: {  	v41 =	vsel vm11, v61, v41;
	v60 =	vsel vm9, v52, v57;
	v52 =	vsel vm15, v32, v43  }
0x78: {  	v61 =	vnsel vm15, s18, v45;
	v45 =	vsel vm15, s18, v45;
	vm12 =	vgt.f32 v52, v38  }
0x79: {  	v49 =	vsel vm6, v60, v49;
	v56 =	vsel vm12, v38, v52;
	v36 =	vsel vm12, v61, v36  }
0x7a: {  	v50 =	vsel vm6, v54, v60;
	v53 =	vsel vm12, v53, v61;
	vm4 =	vgt.f32 v56, v47  }
0x7b: {  	v54 =	vsel vm5, v39, v50;
	v55 =	vsel vm4, v47, v56;
	v57 =	vsel vm4, v53, v42  }
0x7c: {  	v62 =	vsel vm8, v44, v54;
	v42 =	vsel vm4, v42, v53;
	vm6 =	vgt.f32 v55, v46  }
0x7d: {  	v58 =	vsel vm8, v54, v44;
	v59 =	vld.idx.msk [tilespmem:v45+s9+$0x0], $0xffff;
	v53 =	vsel vm6, v46, v55;
	v54 =	vsel vm6, v42, v48  }
0x7e: {  	v63 =	vsel vm5, v50, v39;
	v42 =	vsel vm6, v48, v42;
	vm13 =	vgt.f32 v53, v27;
	v60 =	vld.idx.msk [tilespmem:v36+s9+$0x0], $0xffff  }
0x7f: {  	v40 =	vsel vm11, v62, v40;
	v44 =	vsel vm13, v27, v53;
	v50 =	vsel vm13, v42, v49  }
0x80: {  	v61 =	vsel vm15, v43, v32;
	v42 =	vsel vm13, v49, v42;
	vm14 =	vgt.f32 v44, v33;
	v62 =	vld.idx.msk [tilespmem:v57+s9+$0x0], $0xffff  }
0x81: {  	v38 =	vsel vm12, v52, v38;
	v49 =	vsel vm14, v33, v44;
	v52 =	vsel vm14, v42, v63  }
0x82: {  	v39 =	vsel vm14, v63, v42;
	v32 =	vsub.f32 v61, v59;
	vm15 =	vgt.f32 v49, v34;
	v63 =	vld.idx.msk [tilespmem:v54+s9+$0x0], $0xffff  }
0x83: {  	v59 =	vsel vm15, v34, v49;
	v38 =	vsub.f32 v38, v60;
	v48 =	vsel vm15, v39, v58  }
0x84: {  	v47 =	vsel vm4, v56, v47;
	v39 =	vsel vm15, v58, v39;
	vm12 =	vgt.f32 v59, v41;
	v60 =	vld.idx.msk [tilespmem:v50+s9+$0x0], $0xffff  }
0x85: {  	v39 =	vsel vm12, v39, v40;
	v40 =	vsub.f32 v47, v62;
	v61 =	vadd.f32 v38, v32  }
0x86: {  	v46 =	vsel vm6, v55, v46;
	v62 =	vld.idx.msk [tilespmem:v52+s9+$0x0], $0xffff  }
0x87: {  	v42 =	vsub.f32 v46, v63;
	v43 =	vadd.f32 v40, v61  }
0x88: {  	v63 =	vsel vm13, v53, v27;
	v53 =	vld.idx.msk [tilespmem:v48+s9+$0x0], $0xffff  }
0x89: {  	v27 =	vsub.f32 v63, v60;
	v43 =	vadd.f32 v42, v43  }
0x8a: {  	v33 =	vsel vm14, v44, v33;
	v55 =	vld.idx.msk [tilespmem:v39+s9+$0x0], $0xffff  }
0x8b: {  	v33 =	vsub.f32 v33, v62;
	v43 =	vadd.f32 v27, v43  }
0x8c: {  	v34 =	vsel vm15, v49, v34  }
0x8d: {  	v34 =	vsub.f32 v34, v53;
	v43 =	vadd.f32 v33, v43  }
0x8e: {  	v41 =	vsel vm12, v59, v41  }
0x8f: {  	v41 =	vsub.f32 v41, v55;
	v43 =	vadd.f32 v34, v43;
	_ =	sdelay $0x1  }
0x90: {  	v43 =	vadd.f32 v41, v43;
	_ =	sdelay $0x1  }
0x91: {  	v43 =	vadd.f32 $9.999999680e-21, v43;
	_ =	sdelay $0x1  }
0x92: {  	(erf) = vrcp.f32 v43;
	_ =	sdelay $0x8  }
0x93: {  	v6 =	vshll.u32 v6, $0x3;
	v43 =	vpop (erf)  }
0x94: {  	v56 =	vshll.u32 v45, $0x5;
	v43 =	vmul.f32 $2.500000000e+00, v43  }
0x95: {  	v44 =	vor.u32 v1, v56  }
0x96: {  	v58 =	vor.u32 $0x1, v6;
	v32 =	vmul.f32 v43, v32  }
0x97: {  	v59 =	vshll.u32 v36, $0x5  }
0x98: {  	v60 =	vor.u32 v1, v59;
	[tilespmem:v6+s11+$0x0] =	vst.idx.msk $0xffff, v32  }
0x99: {  	v61 =	vor.u32 $0x2, v6;
	v38 =	vmul.f32 v43, v38;
	[tilespmem:v6+s12+$0x0] =	vst.idx.msk $0xffff, v45  }
0x9a: {  	v24 =	vsel vm0, v25, v24;
	v63 =	vshll.u32 v57, $0x5;
	[tilespmem:v44+s13+$0x0] =	vst.idx.add.s32.msk $0xffff, v2  }
0x9b: {  	v22 =	vsel vm3, v51, v22;
	v44 =	vor.u32 v1, v63;
	[tilespmem:v58+s11+$0x0] =	vst.idx.msk $0xffff, v38  }
0x9c: {  	v23 =	vsel vm1, v30, v23;
	v53 =	vor.u32 $0x3, v6;
	v46 =	vmul.f32 v43, v40;
	[tilespmem:v58+s12+$0x0] =	vst.idx.msk $0xffff, v36  }
0x9d: {  	v21 =	vsel vm2, v37, v21;
	v16 =	vsel vm1, v26, v16;
	v55 =	vshll.u32 v54, $0x5;
	[tilespmem:v60+s13+$0x0] =	vst.idx.add.s32.msk $0xffff, v2  }
0x9e: {  	v12 =	vsel vm0, s19, v12;
	v28 =	vadd.f32 v29, v28;
	v56 =	vor.u32 v1, v55;
	[tilespmem:v61+s11+$0x0] =	vst.idx.msk $0xffff, v46  }
0x9f: {  	vm13 =	vgt.f32 v35, v19;
	v58 =	vor.u32 $0x4, v6;
	[tilespmem:v61+s12+$0x0] =	vst.idx.msk $0xffff, v57;
	v57 =	vmul.f32 v43, v42  }
0xa0: {  	vm0 =	vgt.f32 v28, v24;
	v19 =	vsel vm13, v35, v19;
	v59 =	vshll.u32 v50, $0x5;
	[tilespmem:v44+s13+$0x0] =	vst.idx.add.s32.msk $0xffff, v2  }
0xa1: {  	v17 =	vsel vm13, v17, v35;
	v35 =	vshll.u32 v52, $0x5;
	v61 =	vor.u32 v1, v59;
	[tilespmem:v53+s11+$0x0] =	vst.idx.msk $0xffff, v57  }
0xa2: {  	v62 =	vsel vm2, v7, v31;
	v27 =	vmul.f32 v43, v27;
	v63 =	vor.u32 $0x5, v6;
	[tilespmem:v53+s12+$0x0] =	vst.idx.msk $0xffff, v54  }
0xa3: {  	v25 =	vor.u32 v1, v35;
	v49 =	vsel vm3, v15, v62;
	[tilespmem:v56+s13+$0x0] =	vst.idx.add.s32.msk $0xffff, v2  }
0xa4: {  	vm14 =	vgt.f32 v17, v14;
	v20 =	vsel vm13, v49, v20;
	[tilespmem:v58+s11+$0x0] =	vst.idx.msk $0xffff, v27  }
0xa5: {  	v37 =	vor.u32 $0x6, v6;
	v18 =	vsel vm13, v18, v49;
	v36 =	vmul.f32 v43, v33;
	[tilespmem:v58+s12+$0x0] =	vst.idx.msk $0xffff, v50  }
0xa6: {  	v13 =	vsel vm14, v18, v13;
	v10 =	vsel vm14, v10, v18;
	v38 =	vshll.u32 v48, $0x5;
	[tilespmem:v61+s13+$0x0] =	vst.idx.add.s32.msk $0xffff, v2  }
0xa7: {  	v47 =	vnsel vm0, s18, v12;
	v45 =	vsel vm0, v24, v28;
	v42 =	vor.u32 v1, v38;
	[tilespmem:v63+s11+$0x0] =	vst.idx.msk $0xffff, v36  }
0xa8: {  	vm15 =	vgt.f32 v45, v4;
	v6 =	vor.u32 $0x7, v6;
	v44 =	vmul.f32 v43, v34;
	[tilespmem:v63+s12+$0x0] =	vst.idx.msk $0xffff, v52  }
0xa9: {  	v40 =	vsel vm14, v14, v17;
	v49 =	vsel vm15, v4, v45;
	v46 =	vshll.u32 v39, $0x5;
	[tilespmem:v25+s13+$0x0] =	vst.idx.add.s32.msk $0xffff, v2  }
0xaa: {  	v5 =	vsel vm15, v47, v5;
	v25 =	vor.u32 v1, v46;
	[tilespmem:v37+s11+$0x0] =	vst.idx.msk $0xffff, v44  }
0xab: {  	v12 =	vsel vm0, s18, v12;
	v11 =	vsel vm15, v11, v47;
	v50 =	vmul.f32 v43, v41;
	[tilespmem:v37+s12+$0x0] =	vst.idx.msk $0xffff, v48  }
0xac: {  	vm9 =	vgt.f32 v49, v23;
	v60 =	vsel vm3, v62, v15;
	[tilespmem:v42+s13+$0x0] =	vst.idx.add.s32.msk $0xffff, v2  }
0xad: {  	v62 =	vsel vm2, v31, v7;
	v51 =	vsel vm9, v23, v49;
	[tilespmem:v6+s11+$0x0] =	vst.idx.msk $0xffff, v50  }
0xae: {  	vm10 =	vgt.f32 v51, v21;
	v52 =	vsel vm9, v11, v16;
	[tilespmem:v6+s12+$0x0] =	vst.idx.msk $0xffff, v39  }
0xaf: {  	v53 =	vsel vm9, v16, v11;
	v54 =	vsel vm10, v21, v51;
	[tilespmem:v25+s13+$0x0] =	vst.idx.add.s32.msk $0xffff, v2  }
0xb0: {  	vm12 =	vgt.f32 v40, v8;
	vm11 =	vgt.f32 v54, v22;
	v16 =	vsel vm10, v53, v62;
	v55 =	vld.idx.msk [tilespmem:v12+s9+$0x0], $0xffff  }
0xb1: {  	v32 =	vsel vm14, v17, v14;
	v56 =	vsel vm11, v22, v54;
	v6 =	vsel vm10, v62, v53;
	v57 =	vld.idx.msk [tilespmem:v5+s9+$0x0], $0xffff  }
0xb2: {  	v8 =	vsel vm12, v40, v8;
	vm13 =	vgt.f32 v56, v19;
	v14 =	vsel vm11, v6, v60  }
0xb3: {  	v9 =	vsel vm12, v10, v9;
	v58 =	vsel vm13, v19, v56;
	v6 =	vsel vm11, v60, v6;
	v59 =	vld.idx.msk [tilespmem:v52+s9+$0x0], $0xffff  }
0xb4: {  	v24 =	vsel vm0, v28, v24;
	vm14 =	vgt.f32 v58, v32;
	v29 =	vsel vm13, v6, v20  }
0xb5: {  	v61 =	vsel vm14, v32, v58;
	v60 =	vsel vm15, v45, v4;
	v6 =	vsel vm13, v20, v6;
	v62 =	vld.idx.msk [tilespmem:v16+s9+$0x0], $0xffff  }
0xb6: {  	v63 =	vsel vm14, v6, v13;
	v18 =	vsub.f32 v24, v55;
	v4 =	vsub.f32 v60, v57  }
0xb7: {  	v31 =	vsel vm9, v49, v23;
	vm15 =	vgt.f32 v61, v8;
	v6 =	vsel vm14, v13, v6;
	v33 =	vld.idx.msk [tilespmem:v14+s9+$0x0], $0xffff  }
0xb8: {  	v6 =	vsel vm15, v6, v9;
	v7 =	vsub.f32 v31, v59;
	v34 =	vadd.f32 v4, v18  }
0xb9: {  	v35 =	vsel vm10, v51, v21;
	v36 =	vld.idx.msk [tilespmem:v29+s9+$0x0], $0xffff  }
0xba: {  	v15 =	vsub.f32 v35, v62;
	v9 =	vadd.f32 v7, v34  }
0xbb: {  	v11 =	vsel vm11, v54, v22;
	v37 =	vld.idx.msk [tilespmem:v63+s9+$0x0], $0xffff  }
0xbc: {  	v11 =	vsub.f32 v11, v33;
	v9 =	vadd.f32 v15, v9  }
0xbd: {  	v38 =	vsel vm13, v56, v19;
	v39 =	vld.idx.msk [tilespmem:v6+s9+$0x0], $0xffff  }
0xbe: {  	v13 =	vsub.f32 v38, v36;
	v9 =	vadd.f32 v11, v9  }
0xbf: {  	v10 =	vsel vm14, v58, v32  }
0xc0: {  	v10 =	vsub.f32 v10, v37;
	v9 =	vadd.f32 v13, v9  }
0xc1: {  	v8 =	vsel vm15, v61, v8  }
0xc2: {  	v8 =	vsub.f32 v8, v39;
	v9 =	vadd.f32 v10, v9;
	_ =	sdelay $0x1  }
0xc3: {  	v9 =	vadd.f32 v8, v9;
	_ =	sdelay $0x1  }
0xc4: {  	v9 =	vadd.f32 $9.999999680e-21, v9;
	_ =	sdelay $0x1  }
0xc5: {  	(erf) = vrcp.f32 v9;
	_ =	sdelay $0x8  }
0xc6: {  	v3 =	vshll.u32 v3, $0x3;
	v9 =	vpop (erf)  }
0xc7: {  	v40 =	vshll.u32 v12, $0x5;
	v41 =	vor.u32 $0x10, v1;
	v9 =	vmul.f32 $2.500000000e+00, v9  }
0xc8: {  	v17 =	vor.u32 v41, v40  }
0xc9: {  	v42 =	vor.u32 $0x1, v3;
	v18 =	vmul.f32 v9, v18  }
0xca: {  	v43 =	vshll.u32 v5, $0x5  }
0xcb: {  	v44 =	vor.u32 v41, v43;
	[tilespmem:v3+s11+$0x0] =	vst.idx.msk $0xffff, v18  }
0xcc: {  	v45 =	vor.u32 $0x2, v3;
	v4 =	vmul.f32 v9, v4;
	[tilespmem:v3+s12+$0x0] =	vst.idx.msk $0xffff, v12  }
0xcd: {  	v46 =	vshll.u32 v52, $0x5;
	[tilespmem:v17+s13+$0x0] =	vst.idx.add.s32.msk $0xffff, v2  }
0xce: {  	v47 =	vor.u32 v41, v46;
	[tilespmem:v42+s11+$0x0] =	vst.idx.msk $0xffff, v4  }
0xcf: {  	v49 =	vor.u32 $0x3, v3;
	v48 =	vmul.f32 v9, v7;
	[tilespmem:v42+s12+$0x0] =	vst.idx.msk $0xffff, v5  }
0xd0: {  	v50 =	vshll.u32 v16, $0x5;
	[tilespmem:v44+s13+$0x0] =	vst.idx.add.s32.msk $0xffff, v2  }
0xd1: {  	v51 =	vor.u32 v41, v50;
	[tilespmem:v45+s11+$0x0] =	vst.idx.msk $0xffff, v48  }
0xd2: {  	v53 =	vor.u32 $0x4, v3;
	[tilespmem:v45+s12+$0x0] =	vst.idx.msk $0xffff, v52;
	v52 =	vmul.f32 v9, v15  }
0xd3: {  	v54 =	vshll.u32 v14, $0x5;
	[tilespmem:v47+s13+$0x0] =	vst.idx.add.s32.msk $0xffff, v2  }
0xd4: {  	v4 =	vor.u32 v41, v54;
	[tilespmem:v49+s11+$0x0] =	vst.idx.msk $0xffff, v52  }
0xd5: {  	v56 =	vor.u32 $0x5, v3;
	v55 =	vmul.f32 v9, v11;
	[tilespmem:v49+s12+$0x0] =	vst.idx.msk $0xffff, v16  }
0xd6: {  	v57 =	vshll.u32 v29, $0x5;
	[tilespmem:v51+s13+$0x0] =	vst.idx.add.s32.msk $0xffff, v2  }
0xd7: {  	v5 =	vor.u32 v41, v57;
	[tilespmem:v53+s11+$0x0] =	vst.idx.msk $0xffff, v55  }
0xd8: {  	v59 =	vor.u32 $0x6, v3;
	v58 =	vmul.f32 v9, v13;
	[tilespmem:v53+s12+$0x0] =	vst.idx.msk $0xffff, v14  }
0xd9: {  	v60 =	vshll.u32 v63, $0x5;
	[tilespmem:v4+s13+$0x0] =	vst.idx.add.s32.msk $0xffff, v2  }
0xda: {  	v4 =	vor.u32 v41, v60;
	[tilespmem:v56+s11+$0x0] =	vst.idx.msk $0xffff, v58  }
0xdb: {  	v61 =	vmul.f32 v9, v10;
	v3 =	vor.u32 $0x7, v3;
	[tilespmem:v56+s12+$0x0] =	vst.idx.msk $0xffff, v29  }
0xdc: {  	s17 =	sadd.s32 $0x1, s17;
	v62 =	vshll.u32 v6, $0x5;
	[tilespmem:v5+s13+$0x0] =	vst.idx.add.s32.msk $0xffff, v2  }
0xdd: {  	p0 =	sne.s32 s17, $0x20;
	v5 =	vor.u32 v41, v62;
	[tilespmem:v59+s11+$0x0] =	vst.idx.msk $0xffff, v61  }
.Ltmp2:
0xde: {  	[tilespmem:v59+s12+$0x0] =	vst.idx.msk $0xffff, v63;
	v63 =	vmul.f32 v9, v8;
	(pc) =	sbr.rel @p0 .LBB2_4-.Ltmp2, $4  }
0xdf: {  	[tilespmem:v4+s13+$0x0] =	vst.idx.add.s32.msk $0xffff, v2  }
0xe0: {  	[tilespmem:v3+s11+$0x0] =	vst.idx.msk $0xffff, v63  }
0xe1: {  	[tilespmem:v3+s12+$0x0] =	vst.idx.msk $0xffff, v6  }
0xe2: {  	[tilespmem:v5+s13+$0x0] =	vst.idx.add.s32.msk $0xffff, v2  }
0xe3: {  	[hbm4b:s5+s3] =	stream.linear.scatter [tilespmem:s11], [sflag:$0x1], $0x2000, $0x38;
	[tilespmem:$0x14880] =	vst v63  }
0xe4: {  	_ =	swait.ge [sflag:s10], $0x2000  }
0xe5: {  	v3 =	vmul.u32 $0x20, v1;
	[sflag:s10] =	ssyncset.done $0x0  }
0xe6: {  	[sflag:s10] =	ssyncadd.s32 $0xFFFFE000  }
0xe7: {  	v4 =	vor.u32 $0x1, v3;
	[hbm4b:s6+s3] =	stream.linear.scatter [tilespmem:s12], [sflag:$0x1], $0x2000, $0x38;
	[tilespmem:$0x14880] =	vst v63  }
0xe8: {  	v5 =	vor.u32 $0x2, v3;
	_ =	swait.ge [sflag:s10], $0x2000  }
0xe9: {  	v6 =	vor.u32 $0x3, v3;
	[sflag:s10] =	ssyncset.done $0x0  }
0xea: {  	v7 =	vor.u32 $0x4, v3;
	[sflag:s10] =	ssyncadd.s32 $0xFFFFE000  }
0xeb: {  	v9 =	vor.u32 $0x5, v3;
	v8 =	vld.idx.msk [tilespmem:v3+s13+$0x0], $0xffff  }
0xec: {  	v10 =	vor.u32 $0x6, v3;
	v4 =	vld.idx.msk [tilespmem:v4+s13+$0x0], $0xffff  }
0xed: {  	v11 =	vor.u32 $0x7, v3;
	v5 =	vld.idx.msk [tilespmem:v5+s13+$0x0], $0xffff  }
0xee: {  	v12 =	vor.u32 $0x8, v3;
	v6 =	vld.idx.msk [tilespmem:v6+s13+$0x0], $0xffff  }
0xef: {  	v13 =	vor.u32 $0x9, v3;
	v7 =	vld.idx.msk [tilespmem:v7+s13+$0x0], $0xffff  }
0xf0: {  	v14 =	vor.u32 $0xA, v3;
	v9 =	vld.idx.msk [tilespmem:v9+s13+$0x0], $0xffff  }
0xf1: {  	v38 =	vor.u32 $0xB, v3;
	v37 =	vld.idx.msk [tilespmem:v10+s13+$0x0], $0xffff;
	v4 =	vadd.s32 v8, v4  }
0xf2: {  	v40 =	vor.u32 $0xC, v3;
	v39 =	vld.idx.msk [tilespmem:v11+s13+$0x0], $0xffff;
	v4 =	vadd.s32 v5, v4  }
0xf3: {  	v42 =	vor.u32 $0xD, v3;
	v41 =	vld.idx.msk [tilespmem:v12+s13+$0x0], $0xffff;
	v4 =	vadd.s32 v6, v4  }
0xf4: {  	v44 =	vor.u32 $0xE, v3;
	v43 =	vld.idx.msk [tilespmem:v13+s13+$0x0], $0xffff;
	v4 =	vadd.s32 v7, v4  }
0xf5: {  	v46 =	vor.u32 $0xF, v3;
	v45 =	vld.idx.msk [tilespmem:v14+s13+$0x0], $0xffff;
	v4 =	vadd.s32 v9, v4  }
0xf6: {  	v48 =	vor.u32 $0x10, v3;
	v47 =	vld.idx.msk [tilespmem:v38+s13+$0x0], $0xffff;
	v4 =	vadd.s32 v37, v4  }
0xf7: {  	v50 =	vor.u32 $0x11, v3;
	v49 =	vld.idx.msk [tilespmem:v40+s13+$0x0], $0xffff;
	v4 =	vadd.s32 v39, v4  }
0xf8: {  	v52 =	vor.u32 $0x12, v3;
	v51 =	vld.idx.msk [tilespmem:v42+s13+$0x0], $0xffff;
	v4 =	vadd.s32 v41, v4  }
0xf9: {  	v54 =	vor.u32 $0x13, v3;
	v53 =	vld.idx.msk [tilespmem:v44+s13+$0x0], $0xffff;
	v4 =	vadd.s32 v43, v4  }
0xfa: {  	v56 =	vor.u32 $0x14, v3;
	v55 =	vld.idx.msk [tilespmem:v46+s13+$0x0], $0xffff;
	v4 =	vadd.s32 v45, v4  }
0xfb: {  	v58 =	vor.u32 $0x15, v3;
	v57 =	vld.idx.msk [tilespmem:v48+s13+$0x0], $0xffff;
	v4 =	vadd.s32 v47, v4  }
0xfc: {  	v60 =	vor.u32 $0x16, v3;
	v59 =	vld.idx.msk [tilespmem:v50+s13+$0x0], $0xffff;
	v4 =	vadd.s32 v49, v4  }
0xfd: {  	v62 =	vor.u32 $0x17, v3;
	v61 =	vld.idx.msk [tilespmem:v52+s13+$0x0], $0xffff;
	v4 =	vadd.s32 v51, v4  }
0xfe: {  	v16 =	vor.u32 $0x18, v3;
	v63 =	vld.idx.msk [tilespmem:v54+s13+$0x0], $0xffff;
	v4 =	vadd.s32 v53, v4  }
0xff: {  	v18 =	vor.u32 $0x19, v3;
	v17 =	vld.idx.msk [tilespmem:v56+s13+$0x0], $0xffff;
	v4 =	vadd.s32 v55, v4  }
0x100: {  	v20 =	vor.u32 $0x1A, v3;
	v19 =	vld.idx.msk [tilespmem:v58+s13+$0x0], $0xffff;
	v4 =	vadd.s32 v57, v4  }
0x101: {  	v22 =	vor.u32 $0x1B, v3;
	v21 =	vld.idx.msk [tilespmem:v60+s13+$0x0], $0xffff;
	v4 =	vadd.s32 v59, v4  }
0x102: {  	v24 =	vor.u32 $0x1C, v3;
	v23 =	vld.idx.msk [tilespmem:v62+s13+$0x0], $0xffff;
	v4 =	vadd.s32 v61, v4  }
0x103: {  	v26 =	vor.u32 $0x1D, v3;
	v25 =	vld.idx.msk [tilespmem:v16+s13+$0x0], $0xffff;
	v4 =	vadd.s32 v63, v4  }
0x104: {  	v28 =	vor.u32 $0x1E, v3;
	v27 =	vld.idx.msk [tilespmem:v18+s13+$0x0], $0xffff;
	v4 =	vadd.s32 v17, v4  }
0x105: {  	v30 =	vor.u32 $0x1F, v3;
	v29 =	vld.idx.msk [tilespmem:v20+s13+$0x0], $0xffff;
	v4 =	vadd.s32 v19, v4  }
0x106: {  	v31 =	vld.idx.msk [tilespmem:v22+s13+$0x0], $0xffff;
	v4 =	vadd.s32 v21, v4  }
0x107: {  	v32 =	vld.idx.msk [tilespmem:v24+s13+$0x0], $0xffff;
	v4 =	vadd.s32 v23, v4  }
0x108: {  	v33 =	vld.idx.msk [tilespmem:v26+s13+$0x0], $0xffff;
	v4 =	vadd.s32 v25, v4  }
0x109: {  	v34 =	vld.idx.msk [tilespmem:v28+s13+$0x0], $0xffff;
	v4 =	vadd.s32 v27, v4  }
0x10a: {  	v35 =	vld.idx.msk [tilespmem:v30+s13+$0x0], $0xffff;
	v4 =	vadd.s32 v29, v4  }
0x10b: {  	v4 =	vadd.s32 v31, v4  }
0x10c: {  	v36 =	vor.u32 $0x200, v3;
	v4 =	vadd.s32 v32, v4  }
0x10d: {  	v37 =	vor.u32 $0x201, v3;
	v4 =	vadd.s32 v33, v4  }
0x10e: {  	v38 =	vor.u32 $0x202, v3;
	v4 =	vadd.s32 v34, v4  }
0x10f: {  	v39 =	vor.u32 $0x203, v3;
	v4 =	vadd.s32 v35, v4  }
0x110: {  	v40 =	vor.u32 $0x204, v3;
	[tilespmem:$0x14840] =	vst v4  }
0x111: {  	v41 =	vor.u32 $0x205, v3;
	v5 =	vld.idx.msk [tilespmem:v36+s13+$0x0], $0xffff  }
0x112: {  	v42 =	vor.u32 $0x206, v3;
	v6 =	vld.idx.msk [tilespmem:v37+s13+$0x0], $0xffff  }
0x113: {  	v43 =	vor.u32 $0x207, v3;
	v7 =	vld.idx.msk [tilespmem:v38+s13+$0x0], $0xffff  }
0x114: {  	v44 =	vor.u32 $0x208, v3;
	v8 =	vld.idx.msk [tilespmem:v39+s13+$0x0], $0xffff  }
0x115: {  	v45 =	vor.u32 $0x209, v3;
	v4 =	vld.idx.msk [tilespmem:v40+s13+$0x0], $0xffff  }
0x116: {  	v46 =	vor.u32 $0x20A, v3;
	v9 =	vld.idx.msk [tilespmem:v41+s13+$0x0], $0xffff  }
0x117: {  	v48 =	vor.u32 $0x20B, v3;
	v47 =	vld.idx.msk [tilespmem:v42+s13+$0x0], $0xffff;
	v5 =	vadd.s32 v5, v6  }
0x118: {  	v50 =	vor.u32 $0x20C, v3;
	v49 =	vld.idx.msk [tilespmem:v43+s13+$0x0], $0xffff;
	v5 =	vadd.s32 v7, v5  }
0x119: {  	v52 =	vor.u32 $0x20D, v3;
	v51 =	vld.idx.msk [tilespmem:v44+s13+$0x0], $0xffff;
	v5 =	vadd.s32 v8, v5  }
0x11a: {  	v54 =	vor.u32 $0x20E, v3;
	v53 =	vld.idx.msk [tilespmem:v45+s13+$0x0], $0xffff;
	v4 =	vadd.s32 v4, v5  }
0x11b: {  	v56 =	vor.u32 $0x20F, v3;
	v55 =	vld.idx.msk [tilespmem:v46+s13+$0x0], $0xffff;
	v4 =	vadd.s32 v9, v4  }
0x11c: {  	v58 =	vor.u32 $0x210, v3;
	v57 =	vld.idx.msk [tilespmem:v48+s13+$0x0], $0xffff;
	v4 =	vadd.s32 v47, v4  }
0x11d: {  	v60 =	vor.u32 $0x211, v3;
	v59 =	vld.idx.msk [tilespmem:v50+s13+$0x0], $0xffff;
	v4 =	vadd.s32 v49, v4  }
0x11e: {  	v62 =	vor.u32 $0x212, v3;
	v61 =	vld.idx.msk [tilespmem:v52+s13+$0x0], $0xffff;
	v4 =	vadd.s32 v51, v4  }
0x11f: {  	v16 =	vor.u32 $0x213, v3;
	v63 =	vld.idx.msk [tilespmem:v54+s13+$0x0], $0xffff;
	v4 =	vadd.s32 v53, v4  }
0x120: {  	v18 =	vor.u32 $0x214, v3;
	v17 =	vld.idx.msk [tilespmem:v56+s13+$0x0], $0xffff;
	v4 =	vadd.s32 v55, v4  }
0x121: {  	v20 =	vor.u32 $0x215, v3;
	v19 =	vld.idx.msk [tilespmem:v58+s13+$0x0], $0xffff;
	v4 =	vadd.s32 v57, v4  }
0x122: {  	v22 =	vor.u32 $0x216, v3;
	v21 =	vld.idx.msk [tilespmem:v60+s13+$0x0], $0xffff;
	v4 =	vadd.s32 v59, v4  }
0x123: {  	v24 =	vor.u32 $0x217, v3;
	v23 =	vld.idx.msk [tilespmem:v62+s13+$0x0], $0xffff;
	v4 =	vadd.s32 v61, v4  }
0x124: {  	v26 =	vor.u32 $0x218, v3;
	v25 =	vld.idx.msk [tilespmem:v16+s13+$0x0], $0xffff;
	v4 =	vadd.s32 v63, v4  }
0x125: {  	v28 =	vor.u32 $0x219, v3;
	v27 =	vld.idx.msk [tilespmem:v18+s13+$0x0], $0xffff;
	v4 =	vadd.s32 v17, v4  }
0x126: {  	v30 =	vor.u32 $0x21A, v3;
	v29 =	vld.idx.msk [tilespmem:v20+s13+$0x0], $0xffff;
	v4 =	vadd.s32 v19, v4  }
0x127: {  	v32 =	vor.u32 $0x21B, v3;
	v31 =	vld.idx.msk [tilespmem:v22+s13+$0x0], $0xffff;
	v4 =	vadd.s32 v21, v4  }
0x128: {  	v34 =	vor.u32 $0x21C, v3;
	v33 =	vld.idx.msk [tilespmem:v24+s13+$0x0], $0xffff;
	v4 =	vadd.s32 v23, v4  }
0x129: {  	v35 =	vld.idx.msk [tilespmem:v26+s13+$0x0], $0xffff;
	v36 =	vor.u32 $0x21D, v3;
	v4 =	vadd.s32 v25, v4  }
0x12a: {  	v37 =	vld.idx.msk [tilespmem:v28+s13+$0x0], $0xffff;
	v38 =	vor.u32 $0x21E, v3;
	v4 =	vadd.s32 v27, v4  }
0x12b: {  	v39 =	vld.idx.msk [tilespmem:v30+s13+$0x0], $0xffff;
	v40 =	vor.u32 $0x21F, v3;
	v4 =	vadd.s32 v29, v4  }
0x12c: {  	v41 =	vld.idx.msk [tilespmem:v32+s13+$0x0], $0xffff;
	v4 =	vadd.s32 v31, v4  }
0x12d: {  	v42 =	vld.idx.msk [tilespmem:v34+s13+$0x0], $0xffff;
	v4 =	vadd.s32 v33, v4  }
0x12e: {  	v43 =	vld.idx.msk [tilespmem:v36+s13+$0x0], $0xffff;
	v4 =	vadd.s32 v35, v4  }
0x12f: {  	v44 =	vld.idx.msk [tilespmem:v38+s13+$0x0], $0xffff;
	v4 =	vadd.s32 v37, v4  }
0x130: {  	v45 =	vld.idx.msk [tilespmem:v40+s13+$0x0], $0xffff;
	v4 =	vadd.s32 v39, v4  }
0x131: {  	v4 =	vadd.s32 v41, v4  }
0x132: {  	v46 =	vor.u32 $0x400, v3;
	v4 =	vadd.s32 v42, v4  }
0x133: {  	v47 =	vor.u32 $0x401, v3;
	v4 =	vadd.s32 v43, v4  }
0x134: {  	v48 =	vor.u32 $0x402, v3;
	v4 =	vadd.s32 v44, v4  }
0x135: {  	v49 =	vor.u32 $0x403, v3;
	v4 =	vadd.s32 v45, v4  }
0x136: {  	v50 =	vor.u32 $0x404, v3;
	[tilespmem:$0x14850] =	vst v4  }
0x137: {  	v51 =	vor.u32 $0x405, v3;
	v7 =	vld.idx.msk [tilespmem:v46+s13+$0x0], $0xffff  }
0x138: {  	v52 =	vor.u32 $0x406, v3;
	v5 =	vld.idx.msk [tilespmem:v47+s13+$0x0], $0xffff  }
0x139: {  	v53 =	vor.u32 $0x407, v3;
	v8 =	vld.idx.msk [tilespmem:v48+s13+$0x0], $0xffff  }
0x13a: {  	v54 =	vor.u32 $0x408, v3;
	v6 =	vld.idx.msk [tilespmem:v49+s13+$0x0], $0xffff  }
0x13b: {  	v55 =	vor.u32 $0x409, v3;
	v4 =	vld.idx.msk [tilespmem:v50+s13+$0x0], $0xffff  }
0x13c: {  	v56 =	vor.u32 $0x40A, v3;
	v9 =	vld.idx.msk [tilespmem:v51+s13+$0x0], $0xffff  }
0x13d: {  	v58 =	vor.u32 $0x40B, v3;
	v57 =	vld.idx.msk [tilespmem:v52+s13+$0x0], $0xffff;
	v5 =	vadd.s32 v7, v5  }
0x13e: {  	v60 =	vor.u32 $0x40C, v3;
	v59 =	vld.idx.msk [tilespmem:v53+s13+$0x0], $0xffff;
	v5 =	vadd.s32 v8, v5  }
0x13f: {  	v62 =	vor.u32 $0x40D, v3;
	v61 =	vld.idx.msk [tilespmem:v54+s13+$0x0], $0xffff;
	v5 =	vadd.s32 v6, v5  }
0x140: {  	v16 =	vor.u32 $0x40E, v3;
	v63 =	vld.idx.msk [tilespmem:v55+s13+$0x0], $0xffff;
	v4 =	vadd.s32 v4, v5  }
0x141: {  	v18 =	vor.u32 $0x40F, v3;
	v17 =	vld.idx.msk [tilespmem:v56+s13+$0x0], $0xffff;
	v4 =	vadd.s32 v9, v4  }
0x142: {  	v20 =	vor.u32 $0x410, v3;
	v19 =	vld.idx.msk [tilespmem:v58+s13+$0x0], $0xffff;
	v4 =	vadd.s32 v57, v4  }
0x143: {  	v22 =	vor.u32 $0x411, v3;
	v21 =	vld.idx.msk [tilespmem:v60+s13+$0x0], $0xffff;
	v4 =	vadd.s32 v59, v4  }
0x144: {  	v24 =	vor.u32 $0x412, v3;
	v23 =	vld.idx.msk [tilespmem:v62+s13+$0x0], $0xffff;
	v4 =	vadd.s32 v61, v4  }
0x145: {  	v26 =	vor.u32 $0x413, v3;
	v25 =	vld.idx.msk [tilespmem:v16+s13+$0x0], $0xffff;
	v4 =	vadd.s32 v63, v4  }
0x146: {  	v28 =	vor.u32 $0x414, v3;
	v27 =	vld.idx.msk [tilespmem:v18+s13+$0x0], $0xffff;
	v4 =	vadd.s32 v17, v4  }
0x147: {  	v30 =	vor.u32 $0x415, v3;
	v29 =	vld.idx.msk [tilespmem:v20+s13+$0x0], $0xffff;
	v4 =	vadd.s32 v19, v4  }
0x148: {  	v32 =	vor.u32 $0x416, v3;
	v31 =	vld.idx.msk [tilespmem:v22+s13+$0x0], $0xffff;
	v4 =	vadd.s32 v21, v4  }
0x149: {  	v34 =	vor.u32 $0x417, v3;
	v33 =	vld.idx.msk [tilespmem:v24+s13+$0x0], $0xffff;
	v4 =	vadd.s32 v23, v4  }
0x14a: {  	v36 =	vor.u32 $0x418, v3;
	v35 =	vld.idx.msk [tilespmem:v26+s13+$0x0], $0xffff;
	v4 =	vadd.s32 v25, v4  }
0x14b: {  	v38 =	vor.u32 $0x419, v3;
	v37 =	vld.idx.msk [tilespmem:v28+s13+$0x0], $0xffff;
	v4 =	vadd.s32 v27, v4  }
0x14c: {  	v40 =	vor.u32 $0x41A, v3;
	v39 =	vld.idx.msk [tilespmem:v30+s13+$0x0], $0xffff;
	v4 =	vadd.s32 v29, v4  }
0x14d: {  	v42 =	vor.u32 $0x41B, v3;
	v41 =	vld.idx.msk [tilespmem:v32+s13+$0x0], $0xffff;
	v4 =	vadd.s32 v31, v4  }
0x14e: {  	v44 =	vor.u32 $0x41C, v3;
	v43 =	vld.idx.msk [tilespmem:v34+s13+$0x0], $0xffff;
	v4 =	vadd.s32 v33, v4  }
0x14f: {  	v45 =	vld.idx.msk [tilespmem:v36+s13+$0x0], $0xffff;
	v46 =	vor.u32 $0x41D, v3;
	v4 =	vadd.s32 v35, v4  }
0x150: {  	v47 =	vld.idx.msk [tilespmem:v38+s13+$0x0], $0xffff;
	v48 =	vor.u32 $0x41E, v3;
	v4 =	vadd.s32 v37, v4  }
0x151: {  	v49 =	vld.idx.msk [tilespmem:v40+s13+$0x0], $0xffff;
	v50 =	vor.u32 $0x41F, v3;
	v4 =	vadd.s32 v39, v4  }
0x152: {  	v51 =	vld.idx.msk [tilespmem:v42+s13+$0x0], $0xffff;
	v4 =	vadd.s32 v41, v4  }
0x153: {  	v52 =	vld.idx.msk [tilespmem:v44+s13+$0x0], $0xffff;
	v4 =	vadd.s32 v43, v4  }
0x154: {  	v53 =	vld.idx.msk [tilespmem:v46+s13+$0x0], $0xffff;
	v4 =	vadd.s32 v45, v4  }
0x155: {  	v54 =	vld.idx.msk [tilespmem:v48+s13+$0x0], $0xffff;
	v4 =	vadd.s32 v47, v4  }
0x156: {  	v55 =	vld.idx.msk [tilespmem:v50+s13+$0x0], $0xffff;
	v4 =	vadd.s32 v49, v4  }
0x157: {  	v4 =	vadd.s32 v51, v4  }
0x158: {  	v56 =	vor.u32 $0x600, v3;
	v4 =	vadd.s32 v52, v4  }
0x159: {  	v57 =	vor.u32 $0x601, v3;
	v4 =	vadd.s32 v53, v4  }
0x15a: {  	v58 =	vor.u32 $0x602, v3;
	v4 =	vadd.s32 v54, v4  }
0x15b: {  	v59 =	vor.u32 $0x603, v3;
	v4 =	vadd.s32 v55, v4  }
0x15c: {  	v60 =	vor.u32 $0x604, v3;
	[tilespmem:$0x14860] =	vst v4  }
0x15d: {  	v61 =	vor.u32 $0x605, v3;
	v6 =	vld.idx.msk [tilespmem:v56+s13+$0x0], $0xffff  }
0x15e: {  	v62 =	vor.u32 $0x606, v3;
	v5 =	vld.idx.msk [tilespmem:v57+s13+$0x0], $0xffff  }
0x15f: {  	v63 =	vor.u32 $0x607, v3;
	v8 =	vld.idx.msk [tilespmem:v58+s13+$0x0], $0xffff  }
0x160: {  	v16 =	vor.u32 $0x608, v3;
	v7 =	vld.idx.msk [tilespmem:v59+s13+$0x0], $0xffff  }
0x161: {  	v17 =	vor.u32 $0x609, v3;
	v4 =	vld.idx.msk [tilespmem:v60+s13+$0x0], $0xffff  }
0x162: {  	v18 =	vor.u32 $0x60A, v3;
	v9 =	vld.idx.msk [tilespmem:v61+s13+$0x0], $0xffff  }
0x163: {  	v20 =	vor.u32 $0x60B, v3;
	v19 =	vld.idx.msk [tilespmem:v62+s13+$0x0], $0xffff;
	v5 =	vadd.s32 v6, v5  }
0x164: {  	v22 =	vor.u32 $0x60C, v3;
	v21 =	vld.idx.msk [tilespmem:v63+s13+$0x0], $0xffff;
	v5 =	vadd.s32 v8, v5  }
0x165: {  	v24 =	vor.u32 $0x60D, v3;
	v23 =	vld.idx.msk [tilespmem:v16+s13+$0x0], $0xffff;
	v5 =	vadd.s32 v7, v5  }
0x166: {  	v26 =	vor.u32 $0x60E, v3;
	v25 =	vld.idx.msk [tilespmem:v17+s13+$0x0], $0xffff;
	v4 =	vadd.s32 v4, v5  }
0x167: {  	v28 =	vor.u32 $0x60F, v3;
	v27 =	vld.idx.msk [tilespmem:v18+s13+$0x0], $0xffff;
	v4 =	vadd.s32 v9, v4  }
0x168: {  	v30 =	vor.u32 $0x610, v3;
	v29 =	vld.idx.msk [tilespmem:v20+s13+$0x0], $0xffff;
	v4 =	vadd.s32 v19, v4  }
0x169: {  	v32 =	vor.u32 $0x611, v3;
	v31 =	vld.idx.msk [tilespmem:v22+s13+$0x0], $0xffff;
	v4 =	vadd.s32 v21, v4  }
0x16a: {  	v34 =	vor.u32 $0x612, v3;
	v33 =	vld.idx.msk [tilespmem:v24+s13+$0x0], $0xffff;
	v4 =	vadd.s32 v23, v4  }
0x16b: {  	v36 =	vor.u32 $0x613, v3;
	v35 =	vld.idx.msk [tilespmem:v26+s13+$0x0], $0xffff;
	v4 =	vadd.s32 v25, v4  }
0x16c: {  	v38 =	vor.u32 $0x614, v3;
	v37 =	vld.idx.msk [tilespmem:v28+s13+$0x0], $0xffff;
	v4 =	vadd.s32 v27, v4  }
0x16d: {  	v40 =	vor.u32 $0x615, v3;
	v39 =	vld.idx.msk [tilespmem:v30+s13+$0x0], $0xffff;
	v4 =	vadd.s32 v29, v4  }
0x16e: {  	v42 =	vor.u32 $0x616, v3;
	v41 =	vld.idx.msk [tilespmem:v32+s13+$0x0], $0xffff;
	v4 =	vadd.s32 v31, v4  }
0x16f: {  	v44 =	vor.u32 $0x617, v3;
	v43 =	vld.idx.msk [tilespmem:v34+s13+$0x0], $0xffff;
	v4 =	vadd.s32 v33, v4  }
0x170: {  	v46 =	vor.u32 $0x618, v3;
	v45 =	vld.idx.msk [tilespmem:v36+s13+$0x0], $0xffff;
	v4 =	vadd.s32 v35, v4  }
0x171: {  	v48 =	vor.u32 $0x619, v3;
	v47 =	vld.idx.msk [tilespmem:v38+s13+$0x0], $0xffff;
	v4 =	vadd.s32 v37, v4  }
0x172: {  	v50 =	vor.u32 $0x61A, v3;
	v49 =	vld.idx.msk [tilespmem:v40+s13+$0x0], $0xffff;
	v4 =	vadd.s32 v39, v4  }
0x173: {  	v52 =	vor.u32 $0x61B, v3;
	v51 =	vld.idx.msk [tilespmem:v42+s13+$0x0], $0xffff;
	v4 =	vadd.s32 v41, v4  }
0x174: {  	v54 =	vor.u32 $0x61C, v3;
	v53 =	vld.idx.msk [tilespmem:v44+s13+$0x0], $0xffff;
	v4 =	vadd.s32 v43, v4  }
0x175: {  	v55 =	vld.idx.msk [tilespmem:v46+s13+$0x0], $0xffff;
	v56 =	vor.u32 $0x61D, v3;
	v4 =	vadd.s32 v45, v4  }
0x176: {  	v57 =	vld.idx.msk [tilespmem:v48+s13+$0x0], $0xffff;
	v58 =	vor.u32 $0x61E, v3;
	v4 =	vadd.s32 v47, v4  }
0x177: {  	v59 =	vld.idx.msk [tilespmem:v50+s13+$0x0], $0xffff;
	v3 =	vor.u32 $0x61F, v3;
	v4 =	vadd.s32 v49, v4  }
0x178: {  	v60 =	vld.idx.msk [tilespmem:v52+s13+$0x0], $0xffff;
	v4 =	vadd.s32 v51, v4  }
0x179: {  	v61 =	vld.idx.msk [tilespmem:v54+s13+$0x0], $0xffff;
	v4 =	vadd.s32 v53, v4  }
0x17a: {  	v62 =	vld.idx.msk [tilespmem:v56+s13+$0x0], $0xffff;
	v4 =	vadd.s32 v55, v4  }
0x17b: {  	v63 =	vld.idx.msk [tilespmem:v58+s13+$0x0], $0xffff;
	v4 =	vadd.s32 v57, v4  }
0x17c: {  	v3 =	vld.idx.msk [tilespmem:v3+s13+$0x0], $0xffff;
	v4 =	vadd.s32 v59, v4  }
0x17d: {  	v4 =	vadd.s32 v60, v4  }
0x17e: {  	v4 =	vadd.s32 v61, v4  }
0x17f: {  	v4 =	vadd.s32 v62, v4  }
0x180: {  	s15 =	sadd.s32 $0x1, s15;
	v4 =	vadd.s32 v63, v4  }
0x181: {  	p0 =	sne.s32 s15, s8;
	v3 =	vadd.s32 v3, v4  }
.Ltmp3:
0x182: {  	[tilespmem:$0x14870] =	vst v3;
	(pc) =	sbr.rel @p0 .LBB2_1-.Ltmp3, $4  }
0x183: {  	[hbm4b:s7+s3] =	stream.linear.scatter [tilespmem:s14], [sflag:$0x1], $0x40, $0x38;
	[tilespmem:$0x14880] =	vst v63  }
0x184: {  	_ =	swait.ge [sflag:s10], $0x40  }
0x185: {  	[sflag:s10] =	ssyncset.done $0x0  }
0x186: {  	[sflag:s10] =	ssyncadd.s32 $0xFFFFFFC0  }
0x187: {  	_ =	sfence.sel $0x180000  }
0x188: {  	[bflag:$0x0] =	sbarrier.arrive $0xFFFF  }
0x189: {  	p0 =	sne.s32 s2, $0x0;
	_ =	strace $0x90000047  }
0x18a: {  	s0 =	sadd.s32 @!p0 $0x100000, s0;
	[bflag:$0x2] =	sbarrier.arrive $0xFFFF  }
0x18b: {  	[sflag:s0] =	ssyncadd.tile.s32 @!p0 $0x1;
	_ =	shalt  }
.Lfunc_end2:
_tile_overlayer_lowered:
.L_overlay_start_2:
0x18c: {  	(tag) =	ssettag $0x2  }
0x18d: {  	s0 =	rddreg [dreg:$0x0];
	s2 =	stileid.u32  }
0x18e: {  	s1 =	rddreg [dreg:$0x1];
	p0 =	sne.s32 s2, $0x0  }
0x18f: {  	s3 =	rddreg [dreg:$0x2];
	[bflag:$0x3] =	sbarrier.arrive $0xFFFF;
	s2 =	simm.s32 @!p0 $0x1C01  }
0x190: {  	[timem:s3], [sflag:s2] =	dma.local @!p0 [hbm:s0], s1  }
0x191: {  	s0 =	simm.s32 @!p0 $0x1  }
0x192: {  	_ =	swait.ge @!p0 [sflag:s0], s1  }
0x193: {  	s1 =	ssub.s32 @!p0 $0x0, s1;
	[sflag:s0] =	ssyncset.done @!p0 $0x0  }
0x194: {  	[sflag:s0] =	ssyncadd.s32 @!p0 s1  }
0x195: {  	[bflag:$0x3] =	sbarrier.arrive $0xFFFF  }
0x196: {  	_ =	shalt  }

</sc_bundles>
